<compile_context>
chip_gen: v7x
topology: tpu7x:2x2x1
jax: 0.10.2.dev20260603
libtpu: 0.0.44.dev20260713+nightly
codegen_flags: <defaults>
</compile_context>

<pallas_src>
import functools

import numpy as np
import jax
import jax.numpy as jnp
from jax import lax
from jax.experimental import pallas as pl
from jax.experimental.pallas import tpu as pltpu
from jax.experimental.pallas import tpu_sc as plsc

N = 10000
E = 160000
W = 32
DEPTH = 2

NC = 2
NS = 16
NWK = NC * NS
CHUNK = 128
NCH = E // CHUNK
CPW = -(-NCH // NWK)
NP = 10240
TROWS = NP // NS

_EYE = np.eye(W, dtype=np.float32)
H_MAT = np.tile(_EYE, (1, W))
G_MAT = np.repeat(_EYE, W, axis=0)

BLK_E = 1280
BLK_N = 1000

_MESH = plsc.VectorSubcoreMesh(core_axis_name="c", subcore_axis_name="s")
_SC_PARAMS = pltpu.CompilerParams(use_tc_tiling_on_sc=False)



@functools.partial(
    pl.kernel,
    mesh=_MESH,
    compiler_params=_SC_PARAMS,
    out_type=jax.ShapeDtypeStruct((E, W), jnp.float32),
    scratch_types=[
        pltpu.VMEM((CHUNK,), jnp.int32),
        pltpu.VMEM((CHUNK, W), jnp.float32),
        pltpu.SemaphoreType.DMA,
    ],
)
def _sc_gather(h_hbm, idx_hbm, out_hbm, idx_v, rows_v, sem):
    wid = lax.axis_index("c") * NS + lax.axis_index("s")

    def body(t, c):
        r = wid + t * NWK

        @pl.when(r < NCH)
        def _():
            pltpu.sync_copy(idx_hbm.at[r], idx_v)
            pltpu.async_copy(h_hbm.at[idx_v], rows_v, sem).wait()
            pltpu.sync_copy(rows_v, out_hbm.at[pl.ds(r * CHUNK, CHUNK)])

        return c

    lax.fori_loop(0, CPW, body, 0)


def _make_sc_scatter(with_deg):
    out_types = [jax.ShapeDtypeStruct((NC, NP, W), jnp.float32)]
    scratch = [
        pltpu.VMEM((CHUNK,), jnp.int32),
        pltpu.VMEM((CHUNK, W), jnp.float32),
        pltpu.VMEM((CHUNK, W), jnp.float32),
        pltpu.VMEM((TROWS, W), jnp.float32),
        pltpu.VMEM_SHARED((NP, W), jnp.float32),
    ]
    if with_deg:
        out_types.append(jax.ShapeDtypeStruct((NC, NP, W), jnp.float32))
        scratch += [
            pltpu.VMEM((CHUNK, W), jnp.float32),
            pltpu.VMEM_SHARED((NP, W), jnp.float32),
        ]

    def body_fn(msg_hbm, idx_hbm, *rest):
        if with_deg:
            (s_out, d_out, idx_v, rows_v, zeros_v, stage_v, acc,
             ones_v, dacc) = rest
        else:
            (s_out, idx_v, rows_v, zeros_v, stage_v, acc) = rest
        cid = lax.axis_index("c")
        sid = lax.axis_index("s")
        wid = cid * NS + sid
        base = sid * TROWS

        z16 = jnp.zeros((16,), jnp.float32)
        o16 = jnp.ones((16,), jnp.float32)

        def fill(i, c):
            zeros_v[i, pl.ds(0, 16)] = z16
            zeros_v[i, pl.ds(16, 16)] = z16
            if with_deg:
                ones_v[i, pl.ds(0, 16)] = o16
                ones_v[i, pl.ds(16, 16)] = o16
            return c

        lax.fori_loop(0, CHUNK, fill, 0)

        def zero_acc(k, c):
            pltpu.sync_copy(zeros_v, acc.at[pl.ds(base + k * CHUNK, CHUNK)])
            if with_deg:
                pltpu.sync_copy(zeros_v, dacc.at[pl.ds(base + k * CHUNK, CHUNK)])
            return c

        lax.fori_loop(0, TROWS // CHUNK, zero_acc, 0)
        plsc.subcore_barrier()

        def body(t, c):
            r = wid + t * NWK

            @pl.when(r < NCH)
            def _():
                pltpu.sync_copy(idx_hbm.at[r], idx_v)
                pltpu.sync_copy(msg_hbm.at[pl.ds(r * CHUNK, CHUNK)], rows_v)
                pltpu.sync_copy(rows_v, acc.at[idx_v], add=True)
                if with_deg:
                    pltpu.sync_copy(ones_v, dacc.at[idx_v], add=True)

            return c

        lax.fori_loop(0, CPW, body, 0)
        plsc.subcore_barrier()

        pltpu.sync_copy(acc.at[pl.ds(base, TROWS)], stage_v)
        pltpu.sync_copy(stage_v, s_out.at[cid, pl.ds(base, TROWS)])
        if with_deg:
            pltpu.sync_copy(dacc.at[pl.ds(base, TROWS)], stage_v)
            pltpu.sync_copy(stage_v, d_out.at[cid, pl.ds(base, TROWS)])

    return pl.kernel(
        body_fn,
        mesh=_MESH,
        compiler_params=_SC_PARAMS,
        out_type=tuple(out_types),
        scratch_types=scratch,
    )


_sc_scatter_deg = _make_sc_scatter(True)
_sc_scatter = _make_sc_scatter(False)



def _fc1_body(x_ref, w_ref, b_ref, o_ref):
    o_ref[...] = x_ref[...] * w_ref[...] + b_ref[...]


def _tc_fc1(x, fc1_W, fc1_b):
    return pl.pallas_call(
        _fc1_body,
        grid=(N // BLK_N,),
        in_specs=[
            pl.BlockSpec((BLK_N, 1), lambda i: (i, 0)),
            pl.BlockSpec((1, W), lambda i: (0, 0)),
            pl.BlockSpec((1, W), lambda i: (0, 0)),
        ],
        out_specs=pl.BlockSpec((BLK_N, W), lambda i: (i, 0)),
        out_shape=jax.ShapeDtypeStruct((N, W), jnp.float32),
    )(x, fc1_W, fc1_b.reshape(1, W))


def _msg_body(ea, xj, w0, b0, w1, b1, w2, b2, hm, gm, out):
    f32 = jnp.float32
    t = jnp.maximum(jnp.dot(ea[...], w0[...], preferred_element_type=f32)
                    + b0[...], 0.0)
    t = jnp.maximum(jnp.dot(t, w1[...], preferred_element_type=f32)
                    + b1[...], 0.0)
    k2 = jnp.dot(t, w2[...], preferred_element_type=f32) + b2[...]
    xe = jnp.dot(xj[...], hm[...], preferred_element_type=f32)
    out[...] = jnp.dot(k2 * xe, gm[...], preferred_element_type=f32)


def _tc_msg(edge_attr, xj, kW0, kb0, kW1, kb1, kW2, kb2, hm, gm):
    rep = lambda i: (0, 0)
    return pl.pallas_call(
        _msg_body,
        grid=(E // BLK_E,),
        in_specs=[
            pl.BlockSpec((BLK_E, 6), lambda i: (i, 0)),
            pl.BlockSpec((BLK_E, W), lambda i: (i, 0)),
            pl.BlockSpec((6, 64), rep),
            pl.BlockSpec((1, 64), rep),
            pl.BlockSpec((64, 128), rep),
            pl.BlockSpec((1, 128), rep),
            pl.BlockSpec((128, 1024), rep),
            pl.BlockSpec((1, 1024), rep),
            pl.BlockSpec((W, 1024), rep),
            pl.BlockSpec((1024, W), rep),
        ],
        out_specs=pl.BlockSpec((BLK_E, W), lambda i: (i, 0)),
        out_shape=jax.ShapeDtypeStruct((E, W), jnp.float32),
    )(edge_attr, xj, kW0, kb0.reshape(1, -1), kW1, kb1.reshape(1, -1),
      kW2, kb2.reshape(1, -1), hm, gm)


def _comb_body(h_ref, s0, s1, d0, d1, w0, b0, w1, b1, w2, b2, hm, gm,
               fw, fb, oh, oy):
    f32 = jnp.float32
    hb = h_ref[...]
    t = jnp.maximum(jnp.dot(hb, w0[...], preferred_element_type=f32)
                    + b0[...], 0.0)
    t = jnp.maximum(jnp.dot(t, w1[...], preferred_element_type=f32)
                    + b1[...], 0.0)
    bx = jnp.dot(t, w2[...], preferred_element_type=f32) + b2[...]
    nl = jnp.dot(jnp.dot(hb, hm[...], preferred_element_type=f32) * bx,
                 gm[...], preferred_element_type=f32)
    deg = jnp.maximum(d0[...] + d1[...], 1.0)[:, 0:1]
    s = (s0[...] + s1[...]) / deg
    hn = 0.5 * s + 0.5 * (nl - hb) + hb
    oh[...] = hn
    oy[...] = jnp.dot(hn, fw[...], preferred_element_type=f32) + fb[...]


def _tc_combine(h, sp, dp, bW0, bb0, bW1, bb1, bW2, bb2, hm, gm,
                fc2_W, fc2_b):
    rep = lambda i: (0, 0)
    blk = lambda i: (i, 0)
    return pl.pallas_call(
        _comb_body,
        grid=(N // BLK_N,),
        in_specs=[
            pl.BlockSpec((BLK_N, W), blk),
            pl.BlockSpec((BLK_N, W), blk),
            pl.BlockSpec((BLK_N, W), blk),
            pl.BlockSpec((BLK_N, W), blk),
            pl.BlockSpec((BLK_N, W), blk),
            pl.BlockSpec((W, 64), rep),
            pl.BlockSpec((1, 64), rep),
            pl.BlockSpec((64, 128), rep),
            pl.BlockSpec((1, 128), rep),
            pl.BlockSpec((128, 1024), rep),
            pl.BlockSpec((1, 1024), rep),
            pl.BlockSpec((W, 1024), rep),
            pl.BlockSpec((1024, W), rep),
            pl.BlockSpec((W, 1), rep),
            pl.BlockSpec((1, 1), rep),
        ],
        out_specs=[
            pl.BlockSpec((BLK_N, W), blk),
            pl.BlockSpec((BLK_N, 1), blk),
        ],
        out_shape=[
            jax.ShapeDtypeStruct((N, W), jnp.float32),
            jax.ShapeDtypeStruct((N, 1), jnp.float32),
        ],
    )(h, sp[0], sp[1], dp[0], dp[1], bW0, bb0.reshape(1, -1),
      bW1, bb1.reshape(1, -1), bW2, bb2.reshape(1, -1), hm, gm,
      fc2_W, fc2_b.reshape(1, 1))



def kernel(x, edge_index, edge_attr, fc1_W, fc1_b, kW0, kb0, kW1, kb1,
           kW2, kb2, bW0, bb0, bW1, bb1, bW2, bb2, fc2_W, fc2_b):
    src2d = edge_index[0].reshape(NCH, CHUNK)
    dst2d = edge_index[1].reshape(NCH, CHUNK)
    hm = jnp.asarray(H_MAT)
    gm = jnp.asarray(G_MAT)

    h = _tc_fc1(x, fc1_W, fc1_b)
    dp = None
    out = None
    for d in range(DEPTH):
        xj = _sc_gather(h, src2d)
        msg = _tc_msg(edge_attr, xj, kW0, kb0, kW1, kb1, kW2, kb2, hm, gm)
        if d == 0:
            sp, dp = _sc_scatter_deg(msg, dst2d)
        else:
            (sp,) = _sc_scatter(msg, dst2d)
        h, out = _tc_combine(h, sp, dp, bW0, bb0, bW1, bb1, bW2, bb2,
                             hm, gm, fc2_W, fc2_b)
    return out

# --- scband reference (transcript-rebuilt; emitter-appended) ---
"""Pipeline reference for scband-nolocal-kernel-nn-2740189135779 (READ-ONLY COPY).

The authoritative reference and input builder live on the scoring server;
editing this copy changes nothing except your own understanding.
"""

import jax, jax.numpy as jnp
import numpy as np

N = 10000
E = 160000
WIDTH = 32
KER_WIDTH = 128
DEPTH = 2
KER_IN = 6
IN_WIDTH = 1


def _mlp(h, Ws, bs):
    n = len(Ws)
    for i in range(n):
        h = h @ Ws[i] + bs[i]
        if i < n - 1:
            h = jax.nn.relu(h)
    return h


def _init_linear(key, fan_in, fan_out):
    kW, kb = jax.random.split(key)
    scale = 1.0 / np.sqrt(fan_in)
    W = jax.random.uniform(kW, (fan_in, fan_out), jnp.float32, -scale, scale)
    b = jax.random.uniform(kb, (fan_out,), jnp.float32, -scale, scale)
    return W, b


def setup_inputs(seed: int = 0) -> dict:
    key = jax.random.key(seed)
    ks = jax.random.split(key, 12)
    inp = {}
    inp["x"] = jax.random.normal(ks[0], (N, IN_WIDTH), dtype=jnp.float32)
    inp["edge_index"] = jax.random.randint(ks[1], (2, E), 0, N, dtype=jnp.int32)
    inp["edge_attr"] = jax.random.uniform(ks[2], (E, KER_IN), dtype=jnp.float32)
    # fc1: in_width -> width
    inp["fc1_W"], inp["fc1_b"] = _init_linear(ks[3], IN_WIDTH, WIDTH)
    # kernel DenseNet: [ker_in, ker_width//2, ker_width, width**2]
    inp["kW0"], inp["kb0"] = _init_linear(ks[4], KER_IN, KER_WIDTH // 2)
    inp["kW1"], inp["kb1"] = _init_linear(ks[5], KER_WIDTH // 2, KER_WIDTH)
    inp["kW2"], inp["kb2"] = _init_linear(ks[6], KER_WIDTH, WIDTH * WIDTH)
    # Bx DenseNet: [width, ker_width//2, ker_width, width**2]
    inp["bW0"], inp["bb0"] = _init_linear(ks[7], WIDTH, KER_WIDTH // 2)
    inp["bW1"], inp["bb1"] = _init_linear(ks[8], KER_WIDTH // 2, KER_WIDTH)
    inp["bW2"], inp["bb2"] = _init_linear(ks[9], KER_WIDTH, WIDTH * WIDTH)
    # fc2: width -> 1
    inp["fc2_W"], inp["fc2_b"] = _init_linear(ks[10], WIDTH, 1)
    return inp


def reference(x, edge_index, edge_attr, fc1_W, fc1_b, kW0, kb0, kW1, kb1, kW2, kb2, bW0, bb0, bW1, bb1, bW2, bb2, fc2_W, fc2_b):
    src = edge_index[0]
    dst = edge_index[1]
    deg = jax.ops.segment_sum(jnp.ones((E,), jnp.float32), dst, num_segments=N)
    deg = jnp.maximum(deg, 1.0)
    h = x @ fc1_W + fc1_b
    for _ in range(DEPTH):
        # NNConv_NKN with mean aggregation: per-edge weight from kernel MLP
        We = _mlp(edge_attr, [kW0, kW1, kW2], [kb0, kb1, kb2]).reshape(E, WIDTH, WIDTH)
        xj = jnp.take(h, src, axis=0)
        msg = jnp.einsum('eij,ej->ei', We, xj)
        conv = jax.ops.segment_sum(msg, dst, num_segments=N) / deg[:, None]
        # nonlocal Bx term: matmul(Bx(h).view(-1, W, W), h.unsqueeze(2)).squeeze()
        Bxh = _mlp(h, [bW0, bW1, bW2], [bb0, bb1, bb2]).reshape(N, WIDTH, WIDTH)
        nl = jnp.einsum('nij,nj->ni', Bxh, h)
        h = conv / DEPTH + (nl - h) / DEPTH + h
    out = h @ fc2_W + fc2_b
    return out

if __name__ == "__main__":
    import jax
    _d = setup_inputs()
    print(jax.jit(kernel)(*tuple(_d.values())))

</pallas_src>

<mosaic_0001>
#map = affine_map<(d0, d1) -> (0, 0)>
#map1 = affine_map<(d0, d1) -> (0, 0, 0)>
module attributes {stable_mosaic.version = 14 : i64} {
  func.func @body_fn(%arg0: i32, %arg1: i32, %arg2: memref<160000x32xf32, #tpu.memory_space<hbm>>, %arg3: memref<1250x128xi32, #tpu.memory_space<hbm>>, %arg4: memref<2x10240x32xf32, #tpu.memory_space<hbm>>, %arg5: memref<128xi32, #tpu.memory_space<vmem>>, %arg6: memref<128x32xf32, #tpu.memory_space<vmem>>, %arg7: memref<128x32xf32, #tpu.memory_space<vmem>>, %arg8: memref<640x32xf32, #tpu.memory_space<vmem>>, %arg9: memref<10240x32xf32, #tpu.memory_space<vmem_shared>>) attributes {dimension_semantics = [#tpu.dimension_semantics<core_parallel>, #tpu.dimension_semantics<subcore_parallel>], iteration_bounds = array<i64: 2, 16>, scalar_prefetch = 0 : i64, scratch_operands = 5 : i64, tpu.core_type = #tpu.core_type<sc_vector_subcore>, window_params = [{transform_indices = #map}, {transform_indices = #map}, {transform_indices = #map1}]} {
    %mul3A = arith.constant 16 : i32
    %mul3A_0 = arith.muli %arg0, %mul3A : i32
    %add3A = arith.addi %mul3A_0, %arg1 : i32
    %mul3A_1 = arith.constant 640 : i32
    %mul3A_2 = arith.muli %arg1, %mul3A_1 : i32
    %broadcast_in_dim3A = arith.constant 0.000000e+00 : f32
    %broadcast_in_dim3A_3 = vector.broadcast %broadcast_in_dim3A : f32 to vector<16xf32>
    %broadcast_in_dim3A_4 = arith.constant 1.000000e+00 : f32
    %broadcast_in_dim3A_5 = vector.broadcast %broadcast_in_dim3A_4 : f32 to vector<16xf32>
    %scan3A = arith.constant 0 : i32
    %scan3A_6 = arith.constant 0 : i32
    %scan3A_7 = arith.constant 128 : i32
    %scan3A_8 = arith.addi %scan3A_6, %scan3A_7 : i32
    %scan3A_9 = arith.constant 1 : i32
    scf.for %scan3A_24 = %scan3A_6 to %scan3A_8 step %scan3A_9  : i32 {
      %swap3A = arith.index_cast %scan3A_24 : i32 to index
      %swap3A_25 = arith.constant 0 : index
      %swap3A_26 = tpu.vector_load %arg7[%swap3A, %swap3A_25] {strides = array<i32>} : memref<128x32xf32, #tpu.memory_space<vmem>>, vector<1x16xf32>,
      %swap3A_27 = vector.shape_cast %swap3A_26 : vector<1x16xf32> to vector<16xf32>
      %swap3A_28 = vector.shape_cast %broadcast_in_dim3A_3 : vector<16xf32> to vector<1x16xf32>
      tpu.vector_store %arg7[%swap3A, %swap3A_25], %swap3A_28 {strides = array<i32>} : memref<128x32xf32, #tpu.memory_space<vmem>>, vector<1x16xf32>,
      %swap3A_29 = arith.index_cast %scan3A_24 : i32 to index
      %swap3A_30 = arith.constant 16 : index
      %swap3A_31 = tpu.vector_load %arg7[%swap3A_29, %swap3A_30] {strides = array<i32>} : memref<128x32xf32, #tpu.memory_space<vmem>>, vector<1x16xf32>,
      %swap3A_32 = vector.shape_cast %swap3A_31 : vector<1x16xf32> to vector<16xf32>
      %swap3A_33 = vector.shape_cast %broadcast_in_dim3A_3 : vector<16xf32> to vector<1x16xf32>
      tpu.vector_store %arg7[%swap3A_29, %swap3A_30], %swap3A_33 {strides = array<i32>} : memref<128x32xf32, #tpu.memory_space<vmem>>, vector<1x16xf32>,
    }
    %scan3A_10 = arith.constant 128 : i32
    %scan3A_11 = arith.constant 0 : i32
    %scan3A_12 = arith.constant 0 : i32
    %scan3A_13 = arith.constant 5 : i32
    %scan3A_14 = arith.addi %scan3A_12, %scan3A_13 : i32
    %scan3A_15 = arith.constant 1 : i32
    scf.for %scan3A_24 = %scan3A_12 to %scan3A_14 step %scan3A_15  : i32 {
      %mul3A_25 = arith.constant 128 : i32
      %mul3A_26 = arith.muli %scan3A_24, %mul3A_25 : i32
      %add3A_27 = arith.addi %mul3A_2, %mul3A_26 : i32
      "tpu.region"() ({
        %run_scoped3A = tpu.sem_alloc : memref<!tpu.dma_semaphore, #tpu.memory_space<semaphore_mem>>
        %dma_start3A = arith.constant 0 : i32
        %dma_start3A_28 = tpu.memref_slice %arg9[%add3A_27, %dma_start3A] : memref<10240x32xf32, #tpu.memory_space<vmem_shared>> -> memref<128x32xf32, #tpu.memory_space<vmem_shared>>
        %dma_start3A_29 = arith.constant 0 : i32
        %dma_start3A_30 = tpu.memref_slice %arg9[%add3A_27, %dma_start3A_29] : memref<10240x32xf32, #tpu.memory_space<vmem_shared>> -> memref<128x32xf32, #tpu.memory_space<vmem_shared>>
        tpu.enqueue_dma source(%arg7 : memref<128x32xf32, #tpu.memory_space<vmem>>) target(%dma_start3A_30 : memref<128x32xf32, #tpu.memory_space<vmem_shared>>) target_semaphore(%run_scoped3A : memref<!tpu.dma_semaphore, #tpu.memory_space<semaphore_mem>>)
        %dma_wait3A = arith.constant 0 : i32
        %dma_wait3A_31 = tpu.memref_slice %arg9[%add3A_27, %dma_wait3A] : memref<10240x32xf32, #tpu.memory_space<vmem_shared>> -> memref<128x32xf32, #tpu.memory_space<vmem_shared>>
        %dma_wait3A_32 = arith.constant 0 : i32
        %dma_wait3A_33 = tpu.memref_slice %arg9[%add3A_27, %dma_wait3A_32] : memref<10240x32xf32, #tpu.memory_space<vmem_shared>> -> memref<128x32xf32, #tpu.memory_space<vmem_shared>>
        tpu.wait_dma2 semaphore(%run_scoped3A : memref<!tpu.dma_semaphore, #tpu.memory_space<semaphore_mem>>) src(%arg7 : memref<128x32xf32, #tpu.memory_space<vmem>>) dst(%dma_wait3A_33 : memref<128x32xf32, #tpu.memory_space<vmem_shared>>)
        tpu.yield
      }) : () -> ()
    }
    %scan3A_16 = arith.constant 5 : i32
    %barrier3A = arith.constant 0 : index
    tpu.barrier barrier_id(%barrier3A)
    %scan3A_17 = arith.constant 0 : i32
    %scan3A_18 = arith.constant 0 : i32
    %scan3A_19 = arith.constant 40 : i32
    %scan3A_20 = arith.addi %scan3A_18, %scan3A_19 : i32
    %scan3A_21 = arith.constant 1 : i32
    scf.for %scan3A_24 = %scan3A_18 to %scan3A_20 step %scan3A_21  : i32 {
      %mul3A_25 = arith.constant 32 : i32
      %mul3A_26 = arith.muli %scan3A_24, %mul3A_25 : i32
      %add3A_27 = arith.addi %add3A, %mul3A_26 : i32
      %lt3A = arith.constant 1250 : i32
      %lt3A_28 = arith.cmpi slt, %add3A_27, %lt3A : i32
      %convert_element_type3A = arith.extui %lt3A_28 : i1 to i32
      %cond3A = arith.constant 0 : i32
      %cond3A_29 = arith.cmpi ne, %convert_element_type3A, %cond3A : i32
      scf.if %cond3A_29 {
        "tpu.region"() ({
          %run_scoped3A = tpu.sem_alloc : memref<!tpu.dma_semaphore, #tpu.memory_space<semaphore_mem>>
          %dma_start3A = arith.constant 0 : i32
          %dma_start3A_32 = tpu.memref_slice %arg3[%add3A_27, %dma_start3A] : memref<1250x128xi32, #tpu.memory_space<hbm>> -> memref<1x128xi32, #tpu.memory_space<hbm>>
          %dma_start3A_33 = tpu.memref_squeeze %dma_start3A_32 : memref<1x128xi32, #tpu.memory_space<hbm>> -> memref<128xi32, #tpu.memory_space<hbm>>
          %dma_start3A_34 = arith.constant 0 : i32
          %dma_start3A_35 = tpu.memref_slice %arg3[%add3A_27, %dma_start3A_34] : memref<1250x128xi32, #tpu.memory_space<hbm>> -> memref<1x128xi32, #tpu.memory_space<hbm>>
          %dma_start3A_36 = tpu.memref_squeeze %dma_start3A_35 : memref<1x128xi32, #tpu.memory_space<hbm>> -> memref<128xi32, #tpu.memory_space<hbm>>
          tpu.enqueue_dma source(%dma_start3A_36 : memref<128xi32, #tpu.memory_space<hbm>>) target(%arg5 : memref<128xi32, #tpu.memory_space<vmem>>) target_semaphore(%run_scoped3A : memref<!tpu.dma_semaphore, #tpu.memory_space<semaphore_mem>>)
          %dma_wait3A = arith.constant 0 : i32
          %dma_wait3A_37 = tpu.memref_slice %arg3[%add3A_27, %dma_wait3A] : memref<1250x128xi32, #tpu.memory_space<hbm>> -> memref<1x128xi32, #tpu.memory_space<hbm>>
          %dma_wait3A_38 = tpu.memref_squeeze %dma_wait3A_37 : memref<1x128xi32, #tpu.memory_space<hbm>> -> memref<128xi32, #tpu.memory_space<hbm>>
          %dma_wait3A_39 = arith.constant 0 : i32
          %dma_wait3A_40 = tpu.memref_slice %arg3[%add3A_27, %dma_wait3A_39] : memref<1250x128xi32, #tpu.memory_space<hbm>> -> memref<1x128xi32, #tpu.memory_space<hbm>>
          %dma_wait3A_41 = tpu.memref_squeeze %dma_wait3A_40 : memref<1x128xi32, #tpu.memory_space<hbm>> -> memref<128xi32, #tpu.memory_space<hbm>>
          tpu.wait_dma2 semaphore(%run_scoped3A : memref<!tpu.dma_semaphore, #tpu.memory_space<semaphore_mem>>) src(%dma_wait3A_41 : memref<128xi32, #tpu.memory_space<hbm>>) dst(%arg5 : memref<128xi32, #tpu.memory_space<vmem>>)
          tpu.yield
        }) : () -> ()
        %mul3A_30 = arith.constant 128 : i32
        %mul3A_31 = arith.muli %add3A_27, %mul3A_30 : i32
        "tpu.region"() ({
          %run_scoped3A = tpu.sem_alloc : memref<!tpu.dma_semaphore, #tpu.memory_space<semaphore_mem>>
          %dma_start3A = arith.constant 0 : i32
          %dma_start3A_32 = tpu.memref_slice %arg2[%mul3A_31, %dma_start3A] : memref<160000x32xf32, #tpu.memory_space<hbm>> -> memref<128x32xf32, #tpu.memory_space<hbm>>
          %dma_start3A_33 = arith.constant 0 : i32
          %dma_start3A_34 = tpu.memref_slice %arg2[%mul3A_31, %dma_start3A_33] : memref<160000x32xf32, #tpu.memory_space<hbm>> -> memref<128x32xf32, #tpu.memory_space<hbm>>
          tpu.enqueue_dma source(%dma_start3A_34 : memref<128x32xf32, #tpu.memory_space<hbm>>) target(%arg6 : memref<128x32xf32, #tpu.memory_space<vmem>>) target_semaphore(%run_scoped3A : memref<!tpu.dma_semaphore, #tpu.memory_space<semaphore_mem>>)
          %dma_wait3A = arith.constant 0 : i32
          %dma_wait3A_35 = tpu.memref_slice %arg2[%mul3A_31, %dma_wait3A] : memref<160000x32xf32, #tpu.memory_space<hbm>> -> memref<128x32xf32, #tpu.memory_space<hbm>>
          %dma_wait3A_36 = arith.constant 0 : i32
          %dma_wait3A_37 = tpu.memref_slice %arg2[%mul3A_31, %dma_wait3A_36] : memref<160000x32xf32, #tpu.memory_space<hbm>> -> memref<128x32xf32, #tpu.memory_space<hbm>>
          tpu.wait_dma2 semaphore(%run_scoped3A : memref<!tpu.dma_semaphore, #tpu.memory_space<semaphore_mem>>) src(%dma_wait3A_37 : memref<128x32xf32, #tpu.memory_space<hbm>>) dst(%arg6 : memref<128x32xf32, #tpu.memory_space<vmem>>)
          tpu.yield
        }) : () -> ()
        "tpu.region"() ({
          %run_scoped3A = tpu.sem_alloc : memref<!tpu.dma_semaphore, #tpu.memory_space<semaphore_mem>>
          %dma_start3A = arith.constant 0 : i32
          %dma_start3A_32 = arith.constant 0 : i32
          %dma_start3A_33 = tpu.memref_slice %arg9[%dma_start3A, %dma_start3A_32] : memref<10240x32xf32, #tpu.memory_space<vmem_shared>> -> memref<10240x32xf32, #tpu.memory_space<vmem_shared>>
          tpu.enqueue_indirect_dma source(%arg6 : memref<128x32xf32, #tpu.memory_space<vmem>>) target(%dma_start3A_33 : memref<10240x32xf32, #tpu.memory_space<vmem_shared>>) offsets(%arg5 : memref<128xi32, #tpu.memory_space<vmem>>) semaphore(%run_scoped3A : memref<!tpu.dma_semaphore, #tpu.memory_space<semaphore_mem>>) {add = true}
          %dma_wait3A = arith.constant 0 : i32
          %dma_wait3A_34 = arith.constant 0 : i32
          %dma_wait3A_35 = tpu.memref_slice %arg9[%dma_wait3A, %dma_wait3A_34] : memref<10240x32xf32, #tpu.memory_space<vmem_shared>> -> memref<10240x32xf32, #tpu.memory_space<vmem_shared>>
          tpu.wait_indirect_dma semaphore(%run_scoped3A : memref<!tpu.dma_semaphore, #tpu.memory_space<semaphore_mem>>) src(%arg6 : memref<128x32xf32, #tpu.memory_space<vmem>>) dst(%dma_wait3A_35 : memref<10240x32xf32, #tpu.memory_space<vmem_shared>>)
          tpu.yield
        }) : () -> ()
      } else {
      }
    }
    %scan3A_22 = arith.constant 40 : i32
    %barrier3A_23 = arith.constant 0 : index
    tpu.barrier barrier_id(%barrier3A_23)
    "tpu.region"() ({
      %run_scoped3A = tpu.sem_alloc : memref<!tpu.dma_semaphore, #tpu.memory_space<semaphore_mem>>
      %dma_start3A = arith.constant 0 : i32
      %dma_start3A_24 = tpu.memref_slice %arg9[%mul3A_2, %dma_start3A] : memref<10240x32xf32, #tpu.memory_space<vmem_shared>> -> memref<640x32xf32, #tpu.memory_space<vmem_shared>>
      %dma_start3A_25 = arith.constant 0 : i32
      %dma_start3A_26 = tpu.memref_slice %arg9[%mul3A_2, %dma_start3A_25] : memref<10240x32xf32, #tpu.memory_space<vmem_shared>> -> memref<640x32xf32, #tpu.memory_space<vmem_shared>>
      tpu.enqueue_dma source(%dma_start3A_26 : memref<640x32xf32, #tpu.memory_space<vmem_shared>>) target(%arg8 : memref<640x32xf32, #tpu.memory_space<vmem>>) target_semaphore(%run_scoped3A : memref<!tpu.dma_semaphore, #tpu.memory_space<semaphore_mem>>)
      %dma_wait3A = arith.constant 0 : i32
      %dma_wait3A_27 = tpu.memref_slice %arg9[%mul3A_2, %dma_wait3A] : memref<10240x32xf32, #tpu.memory_space<vmem_shared>> -> memref<640x32xf32, #tpu.memory_space<vmem_shared>>
      %dma_wait3A_28 = arith.constant 0 : i32
      %dma_wait3A_29 = tpu.memref_slice %arg9[%mul3A_2, %dma_wait3A_28] : memref<10240x32xf32, #tpu.memory_space<vmem_shared>> -> memref<640x32xf32, #tpu.memory_space<vmem_shared>>
      tpu.wait_dma2 semaphore(%run_scoped3A : memref<!tpu.dma_semaphore, #tpu.memory_space<semaphore_mem>>) src(%dma_wait3A_29 : memref<640x32xf32, #tpu.memory_space<vmem_shared>>) dst(%arg8 : memref<640x32xf32, #tpu.memory_space<vmem>>)
      tpu.yield
    }) : () -> ()
    "tpu.region"() ({
      %run_scoped3A = tpu.sem_alloc : memref<!tpu.dma_semaphore, #tpu.memory_space<semaphore_mem>>
      %dma_start3A = arith.constant 0 : i32
      %dma_start3A_24 = tpu.memref_slice %arg4[%arg0, %mul3A_2, %dma_start3A] : memref<2x10240x32xf32, #tpu.memory_space<hbm>> -> memref<1x640x32xf32, #tpu.memory_space<hbm>>
      %dma_start3A_25 = tpu.memref_squeeze %dma_start3A_24 : memref<1x640x32xf32, #tpu.memory_space<hbm>> -> memref<640x32xf32, #tpu.memory_space<hbm>>
      %dma_start3A_26 = arith.constant 0 : i32
      %dma_start3A_27 = tpu.memref_slice %arg4[%arg0, %mul3A_2, %dma_start3A_26] : memref<2x10240x32xf32, #tpu.memory_space<hbm>> -> memref<1x640x32xf32, #tpu.memory_space<hbm>>
      %dma_start3A_28 = tpu.memref_squeeze %dma_start3A_27 : memref<1x640x32xf32, #tpu.memory_space<hbm>> -> memref<640x32xf32, #tpu.memory_space<hbm>>
      tpu.enqueue_dma source(%arg8 : memref<640x32xf32, #tpu.memory_space<vmem>>) target(%dma_start3A_28 : memref<640x32xf32, #tpu.memory_space<hbm>>) target_semaphore(%run_scoped3A : memref<!tpu.dma_semaphore, #tpu.memory_space<semaphore_mem>>)
      %dma_wait3A = arith.constant 0 : i32
      %dma_wait3A_29 = tpu.memref_slice %arg4[%arg0, %mul3A_2, %dma_wait3A] : memref<2x10240x32xf32, #tpu.memory_space<hbm>> -> memref<1x640x32xf32, #tpu.memory_space<hbm>>
      %dma_wait3A_30 = tpu.memref_squeeze %dma_wait3A_29 : memref<1x640x32xf32, #tpu.memory_space<hbm>> -> memref<640x32xf32, #tpu.memory_space<hbm>>
      %dma_wait3A_31 = arith.constant 0 : i32
      %dma_wait3A_32 = tpu.memref_slice %arg4[%arg0, %mul3A_2, %dma_wait3A_31] : memref<2x10240x32xf32, #tpu.memory_space<hbm>> -> memref<1x640x32xf32, #tpu.memory_space<hbm>>
      %dma_wait3A_33 = tpu.memref_squeeze %dma_wait3A_32 : memref<1x640x32xf32, #tpu.memory_space<hbm>> -> memref<640x32xf32, #tpu.memory_space<hbm>>
      tpu.wait_dma2 semaphore(%run_scoped3A : memref<!tpu.dma_semaphore, #tpu.memory_space<semaphore_mem>>) src(%arg8 : memref<640x32xf32, #tpu.memory_space<vmem>>) dst(%dma_wait3A_33 : memref<640x32xf32, #tpu.memory_space<hbm>>)
      tpu.yield
    }) : () -> ()
    return
  }
}

#map = affine_map<(d0, d1) -> (0, 0)>
module attributes {stable_mosaic.version = 14 : i64} {
  func.func @_sc_gather(%arg0: i32, %arg1: i32, %arg2: memref<10000x32xf32, #tpu.memory_space<hbm>>, %arg3: memref<1250x128xi32, #tpu.memory_space<hbm>>, %arg4: memref<160000x32xf32, #tpu.memory_space<hbm>>, %arg5: memref<128xi32, #tpu.memory_space<vmem>>, %arg6: memref<128x32xf32, #tpu.memory_space<vmem>>, %arg7: memref<!tpu.dma_semaphore, #tpu.memory_space<semaphore_mem>>) attributes {dimension_semantics = [#tpu.dimension_semantics<core_parallel>, #tpu.dimension_semantics<subcore_parallel>], iteration_bounds = array<i64: 2, 16>, scalar_prefetch = 0 : i64, scratch_operands = 3 : i64, tpu.core_type = #tpu.core_type<sc_vector_subcore>, window_params = [{transform_indices = #map}, {transform_indices = #map}, {transform_indices = #map}]} {
    %mul3A = arith.constant 16 : i32
    %mul3A_0 = arith.muli %arg0, %mul3A : i32
    %add3A = arith.addi %mul3A_0, %arg1 : i32
    %scan3A = arith.constant 0 : i32
    %scan3A_1 = arith.constant 0 : i32
    %scan3A_2 = arith.constant 40 : i32
    %scan3A_3 = arith.addi %scan3A_1, %scan3A_2 : i32
    %scan3A_4 = arith.constant 1 : i32
    scf.for %scan3A_6 = %scan3A_1 to %scan3A_3 step %scan3A_4  : i32 {
      %mul3A_7 = arith.constant 32 : i32
      %mul3A_8 = arith.muli %scan3A_6, %mul3A_7 : i32
      %add3A_9 = arith.addi %add3A, %mul3A_8 : i32
      %lt3A = arith.constant 1250 : i32
      %lt3A_10 = arith.cmpi slt, %add3A_9, %lt3A : i32
      %convert_element_type3A = arith.extui %lt3A_10 : i1 to i32
      %cond3A = arith.constant 0 : i32
      %cond3A_11 = arith.cmpi ne, %convert_element_type3A, %cond3A : i32
      scf.if %cond3A_11 {
        "tpu.region"() ({
          %run_scoped3A = tpu.sem_alloc : memref<!tpu.dma_semaphore, #tpu.memory_space<semaphore_mem>>
          %dma_start3A_18 = arith.constant 0 : i32
          %dma_start3A_19 = tpu.memref_slice %arg3[%add3A_9, %dma_start3A_18] : memref<1250x128xi32, #tpu.memory_space<hbm>> -> memref<1x128xi32, #tpu.memory_space<hbm>>
          %dma_start3A_20 = tpu.memref_squeeze %dma_start3A_19 : memref<1x128xi32, #tpu.memory_space<hbm>> -> memref<128xi32, #tpu.memory_space<hbm>>
          %dma_start3A_21 = arith.constant 0 : i32
          %dma_start3A_22 = tpu.memref_slice %arg3[%add3A_9, %dma_start3A_21] : memref<1250x128xi32, #tpu.memory_space<hbm>> -> memref<1x128xi32, #tpu.memory_space<hbm>>
          %dma_start3A_23 = tpu.memref_squeeze %dma_start3A_22 : memref<1x128xi32, #tpu.memory_space<hbm>> -> memref<128xi32, #tpu.memory_space<hbm>>
          tpu.enqueue_dma source(%dma_start3A_23 : memref<128xi32, #tpu.memory_space<hbm>>) target(%arg5 : memref<128xi32, #tpu.memory_space<vmem>>) target_semaphore(%run_scoped3A : memref<!tpu.dma_semaphore, #tpu.memory_space<semaphore_mem>>)
          %dma_wait3A_24 = arith.constant 0 : i32
          %dma_wait3A_25 = tpu.memref_slice %arg3[%add3A_9, %dma_wait3A_24] : memref<1250x128xi32, #tpu.memory_space<hbm>> -> memref<1x128xi32, #tpu.memory_space<hbm>>
          %dma_wait3A_26 = tpu.memref_squeeze %dma_wait3A_25 : memref<1x128xi32, #tpu.memory_space<hbm>> -> memref<128xi32, #tpu.memory_space<hbm>>
          %dma_wait3A_27 = arith.constant 0 : i32
          %dma_wait3A_28 = tpu.memref_slice %arg3[%add3A_9, %dma_wait3A_27] : memref<1250x128xi32, #tpu.memory_space<hbm>> -> memref<1x128xi32, #tpu.memory_space<hbm>>
          %dma_wait3A_29 = tpu.memref_squeeze %dma_wait3A_28 : memref<1x128xi32, #tpu.memory_space<hbm>> -> memref<128xi32, #tpu.memory_space<hbm>>
          tpu.wait_dma2 semaphore(%run_scoped3A : memref<!tpu.dma_semaphore, #tpu.memory_space<semaphore_mem>>) src(%dma_wait3A_29 : memref<128xi32, #tpu.memory_space<hbm>>) dst(%arg5 : memref<128xi32, #tpu.memory_space<vmem>>)
          tpu.yield
        }) : () -> ()
        %dma_start3A = arith.constant 0 : i32
        %dma_start3A_12 = arith.constant 0 : i32
        %dma_start3A_13 = tpu.memref_slice %arg2[%dma_start3A, %dma_start3A_12] : memref<10000x32xf32, #tpu.memory_space<hbm>> -> memref<10000x32xf32, #tpu.memory_space<hbm>>
        tpu.enqueue_indirect_dma source(%dma_start3A_13 : memref<10000x32xf32, #tpu.memory_space<hbm>>) target(%arg6 : memref<128x32xf32, #tpu.memory_space<vmem>>) offsets(%arg5 : memref<128xi32, #tpu.memory_space<vmem>>) semaphore(%arg7 : memref<!tpu.dma_semaphore, #tpu.memory_space<semaphore_mem>>)
        %dma_wait3A = arith.constant 0 : i32
        %dma_wait3A_14 = arith.constant 0 : i32
        %dma_wait3A_15 = tpu.memref_slice %arg2[%dma_wait3A, %dma_wait3A_14] : memref<10000x32xf32, #tpu.memory_space<hbm>> -> memref<10000x32xf32, #tpu.memory_space<hbm>>
        tpu.wait_indirect_dma semaphore(%arg7 : memref<!tpu.dma_semaphore, #tpu.memory_space<semaphore_mem>>) src(%dma_wait3A_15 : memref<10000x32xf32, #tpu.memory_space<hbm>>) dst(%arg6 : memref<128x32xf32, #tpu.memory_space<vmem>>)
        %mul3A_16 = arith.constant 128 : i32
        %mul3A_17 = arith.muli %add3A_9, %mul3A_16 : i32
        "tpu.region"() ({
          %run_scoped3A = tpu.sem_alloc : memref<!tpu.dma_semaphore, #tpu.memory_space<semaphore_mem>>
          %dma_start3A_18 = arith.constant 0 : i32
          %dma_start3A_19 = tpu.memref_slice %arg4[%mul3A_17, %dma_start3A_18] : memref<160000x32xf32, #tpu.memory_space<hbm>> -> memref<128x32xf32, #tpu.memory_space<hbm>>
          %dma_start3A_20 = arith.constant 0 : i32
          %dma_start3A_21 = tpu.memref_slice %arg4[%mul3A_17, %dma_start3A_20] : memref<160000x32xf32, #tpu.memory_space<hbm>> -> memref<128x32xf32, #tpu.memory_space<hbm>>
          tpu.enqueue_dma source(%arg6 : memref<128x32xf32, #tpu.memory_space<vmem>>) target(%dma_start3A_21 : memref<128x32xf32, #tpu.memory_space<hbm>>) target_semaphore(%run_scoped3A : memref<!tpu.dma_semaphore, #tpu.memory_space<semaphore_mem>>)
          %dma_wait3A_22 = arith.constant 0 : i32
          %dma_wait3A_23 = tpu.memref_slice %arg4[%mul3A_17, %dma_wait3A_22] : memref<160000x32xf32, #tpu.memory_space<hbm>> -> memref<128x32xf32, #tpu.memory_space<hbm>>
          %dma_wait3A_24 = arith.constant 0 : i32
          %dma_wait3A_25 = tpu.memref_slice %arg4[%mul3A_17, %dma_wait3A_24] : memref<160000x32xf32, #tpu.memory_space<hbm>> -> memref<128x32xf32, #tpu.memory_space<hbm>>
          tpu.wait_dma2 semaphore(%run_scoped3A : memref<!tpu.dma_semaphore, #tpu.memory_space<semaphore_mem>>) src(%arg6 : memref<128x32xf32, #tpu.memory_space<vmem>>) dst(%dma_wait3A_25 : memref<128x32xf32, #tpu.memory_space<hbm>>)
          tpu.yield
        }) : () -> ()
      } else {
      }
    }
    %scan3A_5 = arith.constant 40 : i32
    return
  }
}

#map = affine_map<(d0, d1) -> (0, 0)>
module attributes {stable_mosaic.version = 14 : i64} {
  func.func @_sc_gather(%arg0: i32, %arg1: i32, %arg2: memref<10000x32xf32, #tpu.memory_space<hbm>>, %arg3: memref<1250x128xi32, #tpu.memory_space<hbm>>, %arg4: memref<160000x32xf32, #tpu.memory_space<hbm>>, %arg5: memref<128xi32, #tpu.memory_space<vmem>>, %arg6: memref<128x32xf32, #tpu.memory_space<vmem>>, %arg7: memref<!tpu.dma_semaphore, #tpu.memory_space<semaphore_mem>>) attributes {dimension_semantics = [#tpu.dimension_semantics<core_parallel>, #tpu.dimension_semantics<subcore_parallel>], iteration_bounds = array<i64: 2, 16>, scalar_prefetch = 0 : i64, scratch_operands = 3 : i64, tpu.core_type = #tpu.core_type<sc_vector_subcore>, window_params = [{transform_indices = #map}, {transform_indices = #map}, {transform_indices = #map}]} {
    %mul3A = arith.constant 16 : i32
    %mul3A_0 = arith.muli %arg0, %mul3A : i32
    %add3A = arith.addi %mul3A_0, %arg1 : i32
    %scan3A = arith.constant 0 : i32
    %scan3A_1 = arith.constant 0 : i32
    %scan3A_2 = arith.constant 40 : i32
    %scan3A_3 = arith.addi %scan3A_1, %scan3A_2 : i32
    %scan3A_4 = arith.constant 1 : i32
    scf.for %scan3A_6 = %scan3A_1 to %scan3A_3 step %scan3A_4  : i32 {
      %mul3A_7 = arith.constant 32 : i32
      %mul3A_8 = arith.muli %scan3A_6, %mul3A_7 : i32
      %add3A_9 = arith.addi %add3A, %mul3A_8 : i32
      %lt3A = arith.constant 1250 : i32
      %lt3A_10 = arith.cmpi slt, %add3A_9, %lt3A : i32
      %convert_element_type3A = arith.extui %lt3A_10 : i1 to i32
      %cond3A = arith.constant 0 : i32
      %cond3A_11 = arith.cmpi ne, %convert_element_type3A, %cond3A : i32
      scf.if %cond3A_11 {
        "tpu.region"() ({
          %run_scoped3A = tpu.sem_alloc : memref<!tpu.dma_semaphore, #tpu.memory_space<semaphore_mem>>
          %dma_start3A_18 = arith.constant 0 : i32
          %dma_start3A_19 = tpu.memref_slice %arg3[%add3A_9, %dma_start3A_18] : memref<1250x128xi32, #tpu.memory_space<hbm>> -> memref<1x128xi32, #tpu.memory_space<hbm>>
          %dma_start3A_20 = tpu.memref_squeeze %dma_start3A_19 : memref<1x128xi32, #tpu.memory_space<hbm>> -> memref<128xi32, #tpu.memory_space<hbm>>
          %dma_start3A_21 = arith.constant 0 : i32
          %dma_start3A_22 = tpu.memref_slice %arg3[%add3A_9, %dma_start3A_21] : memref<1250x128xi32, #tpu.memory_space<hbm>> -> memref<1x128xi32, #tpu.memory_space<hbm>>
          %dma_start3A_23 = tpu.memref_squeeze %dma_start3A_22 : memref<1x128xi32, #tpu.memory_space<hbm>> -> memref<128xi32, #tpu.memory_space<hbm>>
          tpu.enqueue_dma source(%dma_start3A_23 : memref<128xi32, #tpu.memory_space<hbm>>) target(%arg5 : memref<128xi32, #tpu.memory_space<vmem>>) target_semaphore(%run_scoped3A : memref<!tpu.dma_semaphore, #tpu.memory_space<semaphore_mem>>)
          %dma_wait3A_24 = arith.constant 0 : i32
          %dma_wait3A_25 = tpu.memref_slice %arg3[%add3A_9, %dma_wait3A_24] : memref<1250x128xi32, #tpu.memory_space<hbm>> -> memref<1x128xi32, #tpu.memory_space<hbm>>
          %dma_wait3A_26 = tpu.memref_squeeze %dma_wait3A_25 : memref<1x128xi32, #tpu.memory_space<hbm>> -> memref<128xi32, #tpu.memory_space<hbm>>
          %dma_wait3A_27 = arith.constant 0 : i32
          %dma_wait3A_28 = tpu.memref_slice %arg3[%add3A_9, %dma_wait3A_27] : memref<1250x128xi32, #tpu.memory_space<hbm>> -> memref<1x128xi32, #tpu.memory_space<hbm>>
          %dma_wait3A_29 = tpu.memref_squeeze %dma_wait3A_28 : memref<1x128xi32, #tpu.memory_space<hbm>> -> memref<128xi32, #tpu.memory_space<hbm>>
          tpu.wait_dma2 semaphore(%run_scoped3A : memref<!tpu.dma_semaphore, #tpu.memory_space<semaphore_mem>>) src(%dma_wait3A_29 : memref<128xi32, #tpu.memory_space<hbm>>) dst(%arg5 : memref<128xi32, #tpu.memory_space<vmem>>)
          tpu.yield
        }) : () -> ()
        %dma_start3A = arith.constant 0 : i32
        %dma_start3A_12 = arith.constant 0 : i32
        %dma_start3A_13 = tpu.memref_slice %arg2[%dma_start3A, %dma_start3A_12] : memref<10000x32xf32, #tpu.memory_space<hbm>> -> memref<10000x32xf32, #tpu.memory_space<hbm>>
        tpu.enqueue_indirect_dma source(%dma_start3A_13 : memref<10000x32xf32, #tpu.memory_space<hbm>>) target(%arg6 : memref<128x32xf32, #tpu.memory_space<vmem>>) offsets(%arg5 : memref<128xi32, #tpu.memory_space<vmem>>) semaphore(%arg7 : memref<!tpu.dma_semaphore, #tpu.memory_space<semaphore_mem>>)
        %dma_wait3A = arith.constant 0 : i32
        %dma_wait3A_14 = arith.constant 0 : i32
        %dma_wait3A_15 = tpu.memref_slice %arg2[%dma_wait3A, %dma_wait3A_14] : memref<10000x32xf32, #tpu.memory_space<hbm>> -> memref<10000x32xf32, #tpu.memory_space<hbm>>
        tpu.wait_indirect_dma semaphore(%arg7 : memref<!tpu.dma_semaphore, #tpu.memory_space<semaphore_mem>>) src(%dma_wait3A_15 : memref<10000x32xf32, #tpu.memory_space<hbm>>) dst(%arg6 : memref<128x32xf32, #tpu.memory_space<vmem>>)
        %mul3A_16 = arith.constant 128 : i32
        %mul3A_17 = arith.muli %add3A_9, %mul3A_16 : i32
        "tpu.region"() ({
          %run_scoped3A = tpu.sem_alloc : memref<!tpu.dma_semaphore, #tpu.memory_space<semaphore_mem>>
          %dma_start3A_18 = arith.constant 0 : i32
          %dma_start3A_19 = tpu.memref_slice %arg4[%mul3A_17, %dma_start3A_18] : memref<160000x32xf32, #tpu.memory_space<hbm>> -> memref<128x32xf32, #tpu.memory_space<hbm>>
          %dma_start3A_20 = arith.constant 0 : i32
          %dma_start3A_21 = tpu.memref_slice %arg4[%mul3A_17, %dma_start3A_20] : memref<160000x32xf32, #tpu.memory_space<hbm>> -> memref<128x32xf32, #tpu.memory_space<hbm>>
          tpu.enqueue_dma source(%arg6 : memref<128x32xf32, #tpu.memory_space<vmem>>) target(%dma_start3A_21 : memref<128x32xf32, #tpu.memory_space<hbm>>) target_semaphore(%run_scoped3A : memref<!tpu.dma_semaphore, #tpu.memory_space<semaphore_mem>>)
          %dma_wait3A_22 = arith.constant 0 : i32
          %dma_wait3A_23 = tpu.memref_slice %arg4[%mul3A_17, %dma_wait3A_22] : memref<160000x32xf32, #tpu.memory_space<hbm>> -> memref<128x32xf32, #tpu.memory_space<hbm>>
          %dma_wait3A_24 = arith.constant 0 : i32
          %dma_wait3A_25 = tpu.memref_slice %arg4[%mul3A_17, %dma_wait3A_24] : memref<160000x32xf32, #tpu.memory_space<hbm>> -> memref<128x32xf32, #tpu.memory_space<hbm>>
          tpu.wait_dma2 semaphore(%run_scoped3A : memref<!tpu.dma_semaphore, #tpu.memory_space<semaphore_mem>>) src(%arg6 : memref<128x32xf32, #tpu.memory_space<vmem>>) dst(%dma_wait3A_25 : memref<128x32xf32, #tpu.memory_space<hbm>>)
          tpu.yield
        }) : () -> ()
      } else {
      }
    }
    %scan3A_5 = arith.constant 40 : i32
    return
  }
}

#map = affine_map<(d0, d1) -> (0, 0)>
#map1 = affine_map<(d0, d1) -> (0, 0, 0)>
module attributes {stable_mosaic.version = 14 : i64} {
  func.func @body_fn(%arg0: i32, %arg1: i32, %arg2: memref<160000x32xf32, #tpu.memory_space<hbm>>, %arg3: memref<1250x128xi32, #tpu.memory_space<hbm>>, %arg4: memref<2x10240x32xf32, #tpu.memory_space<hbm>>, %arg5: memref<2x10240x32xf32, #tpu.memory_space<hbm>>, %arg6: memref<128xi32, #tpu.memory_space<vmem>>, %arg7: memref<128x32xf32, #tpu.memory_space<vmem>>, %arg8: memref<128x32xf32, #tpu.memory_space<vmem>>, %arg9: memref<640x32xf32, #tpu.memory_space<vmem>>, %arg10: memref<10240x32xf32, #tpu.memory_space<vmem_shared>>, %arg11: memref<128x32xf32, #tpu.memory_space<vmem>>, %arg12: memref<10240x32xf32, #tpu.memory_space<vmem_shared>>) attributes {dimension_semantics = [#tpu.dimension_semantics<core_parallel>, #tpu.dimension_semantics<subcore_parallel>], iteration_bounds = array<i64: 2, 16>, scalar_prefetch = 0 : i64, scratch_operands = 7 : i64, tpu.core_type = #tpu.core_type<sc_vector_subcore>, window_params = [{transform_indices = #map}, {transform_indices = #map}, {transform_indices = #map1}, {transform_indices = #map1}]} {
    %mul3A = arith.constant 16 : i32
    %mul3A_0 = arith.muli %arg0, %mul3A : i32
    %add3A = arith.addi %mul3A_0, %arg1 : i32
    %mul3A_1 = arith.constant 640 : i32
    %mul3A_2 = arith.muli %arg1, %mul3A_1 : i32
    %broadcast_in_dim3A = arith.constant 0.000000e+00 : f32
    %broadcast_in_dim3A_3 = vector.broadcast %broadcast_in_dim3A : f32 to vector<16xf32>
    %broadcast_in_dim3A_4 = arith.constant 1.000000e+00 : f32
    %broadcast_in_dim3A_5 = vector.broadcast %broadcast_in_dim3A_4 : f32 to vector<16xf32>
    %scan3A = arith.constant 0 : i32
    %scan3A_6 = arith.constant 0 : i32
    %scan3A_7 = arith.constant 128 : i32
    %scan3A_8 = arith.addi %scan3A_6, %scan3A_7 : i32
    %scan3A_9 = arith.constant 1 : i32
    scf.for %scan3A_24 = %scan3A_6 to %scan3A_8 step %scan3A_9  : i32 {
      %swap3A = arith.index_cast %scan3A_24 : i32 to index
      %swap3A_25 = arith.constant 0 : index
      %swap3A_26 = tpu.vector_load %arg8[%swap3A, %swap3A_25] {strides = array<i32>} : memref<128x32xf32, #tpu.memory_space<vmem>>, vector<1x16xf32>,
      %swap3A_27 = vector.shape_cast %swap3A_26 : vector<1x16xf32> to vector<16xf32>
      %swap3A_28 = vector.shape_cast %broadcast_in_dim3A_3 : vector<16xf32> to vector<1x16xf32>
      tpu.vector_store %arg8[%swap3A, %swap3A_25], %swap3A_28 {strides = array<i32>} : memref<128x32xf32, #tpu.memory_space<vmem>>, vector<1x16xf32>,
      %swap3A_29 = arith.index_cast %scan3A_24 : i32 to index
      %swap3A_30 = arith.constant 16 : index
      %swap3A_31 = tpu.vector_load %arg8[%swap3A_29, %swap3A_30] {strides = array<i32>} : memref<128x32xf32, #tpu.memory_space<vmem>>, vector<1x16xf32>,
      %swap3A_32 = vector.shape_cast %swap3A_31 : vector<1x16xf32> to vector<16xf32>
      %swap3A_33 = vector.shape_cast %broadcast_in_dim3A_3 : vector<16xf32> to vector<1x16xf32>
      tpu.vector_store %arg8[%swap3A_29, %swap3A_30], %swap3A_33 {strides = array<i32>} : memref<128x32xf32, #tpu.memory_space<vmem>>, vector<1x16xf32>,
      %swap3A_34 = arith.index_cast %scan3A_24 : i32 to index
      %swap3A_35 = arith.constant 0 : index
      %swap3A_36 = tpu.vector_load %arg11[%swap3A_34, %swap3A_35] {strides = array<i32>} : memref<128x32xf32, #tpu.memory_space<vmem>>, vector<1x16xf32>,
      %swap3A_37 = vector.shape_cast %swap3A_36 : vector<1x16xf32> to vector<16xf32>
      %swap3A_38 = vector.shape_cast %broadcast_in_dim3A_5 : vector<16xf32> to vector<1x16xf32>
      tpu.vector_store %arg11[%swap3A_34, %swap3A_35], %swap3A_38 {strides = array<i32>} : memref<128x32xf32, #tpu.memory_space<vmem>>, vector<1x16xf32>,
      %swap3A_39 = arith.index_cast %scan3A_24 : i32 to index
      %swap3A_40 = arith.constant 16 : index
      %swap3A_41 = tpu.vector_load %arg11[%swap3A_39, %swap3A_40] {strides = array<i32>} : memref<128x32xf32, #tpu.memory_space<vmem>>, vector<1x16xf32>,
      %swap3A_42 = vector.shape_cast %swap3A_41 : vector<1x16xf32> to vector<16xf32>
      %swap3A_43 = vector.shape_cast %broadcast_in_dim3A_5 : vector<16xf32> to vector<1x16xf32>
      tpu.vector_store %arg11[%swap3A_39, %swap3A_40], %swap3A_43 {strides = array<i32>} : memref<128x32xf32, #tpu.memory_space<vmem>>, vector<1x16xf32>,
    }
    %scan3A_10 = arith.constant 128 : i32
    %scan3A_11 = arith.constant 0 : i32
    %scan3A_12 = arith.constant 0 : i32
    %scan3A_13 = arith.constant 5 : i32
    %scan3A_14 = arith.addi %scan3A_12, %scan3A_13 : i32
    %scan3A_15 = arith.constant 1 : i32
    scf.for %scan3A_24 = %scan3A_12 to %scan3A_14 step %scan3A_15  : i32 {
      %mul3A_25 = arith.constant 128 : i32
      %mul3A_26 = arith.muli %scan3A_24, %mul3A_25 : i32
      %add3A_27 = arith.addi %mul3A_2, %mul3A_26 : i32
      "tpu.region"() ({
        %run_scoped3A = tpu.sem_alloc : memref<!tpu.dma_semaphore, #tpu.memory_space<semaphore_mem>>
        %dma_start3A = arith.constant 0 : i32
        %dma_start3A_31 = tpu.memref_slice %arg10[%add3A_27, %dma_start3A] : memref<10240x32xf32, #tpu.memory_space<vmem_shared>> -> memref<128x32xf32, #tpu.memory_space<vmem_shared>>
        %dma_start3A_32 = arith.constant 0 : i32
        %dma_start3A_33 = tpu.memref_slice %arg10[%add3A_27, %dma_start3A_32] : memref<10240x32xf32, #tpu.memory_space<vmem_shared>> -> memref<128x32xf32, #tpu.memory_space<vmem_shared>>
        tpu.enqueue_dma source(%arg8 : memref<128x32xf32, #tpu.memory_space<vmem>>) target(%dma_start3A_33 : memref<128x32xf32, #tpu.memory_space<vmem_shared>>) target_semaphore(%run_scoped3A : memref<!tpu.dma_semaphore, #tpu.memory_space<semaphore_mem>>)
        %dma_wait3A = arith.constant 0 : i32
        %dma_wait3A_34 = tpu.memref_slice %arg10[%add3A_27, %dma_wait3A] : memref<10240x32xf32, #tpu.memory_space<vmem_shared>> -> memref<128x32xf32, #tpu.memory_space<vmem_shared>>
        %dma_wait3A_35 = arith.constant 0 : i32
        %dma_wait3A_36 = tpu.memref_slice %arg10[%add3A_27, %dma_wait3A_35] : memref<10240x32xf32, #tpu.memory_space<vmem_shared>> -> memref<128x32xf32, #tpu.memory_space<vmem_shared>>
        tpu.wait_dma2 semaphore(%run_scoped3A : memref<!tpu.dma_semaphore, #tpu.memory_space<semaphore_mem>>) src(%arg8 : memref<128x32xf32, #tpu.memory_space<vmem>>) dst(%dma_wait3A_36 : memref<128x32xf32, #tpu.memory_space<vmem_shared>>)
        tpu.yield
      }) : () -> ()
      %mul3A_28 = arith.constant 128 : i32
      %mul3A_29 = arith.muli %scan3A_24, %mul3A_28 : i32
      %add3A_30 = arith.addi %mul3A_2, %mul3A_29 : i32
      "tpu.region"() ({
        %run_scoped3A = tpu.sem_alloc : memref<!tpu.dma_semaphore, #tpu.memory_space<semaphore_mem>>
        %dma_start3A = arith.constant 0 : i32
        %dma_start3A_31 = tpu.memref_slice %arg12[%add3A_30, %dma_start3A] : memref<10240x32xf32, #tpu.memory_space<vmem_shared>> -> memref<128x32xf32, #tpu.memory_space<vmem_shared>>
        %dma_start3A_32 = arith.constant 0 : i32
        %dma_start3A_33 = tpu.memref_slice %arg12[%add3A_30, %dma_start3A_32] : memref<10240x32xf32, #tpu.memory_space<vmem_shared>> -> memref<128x32xf32, #tpu.memory_space<vmem_shared>>
        tpu.enqueue_dma source(%arg8 : memref<128x32xf32, #tpu.memory_space<vmem>>) target(%dma_start3A_33 : memref<128x32xf32, #tpu.memory_space<vmem_shared>>) target_semaphore(%run_scoped3A : memref<!tpu.dma_semaphore, #tpu.memory_space<semaphore_mem>>)
        %dma_wait3A = arith.constant 0 : i32
        %dma_wait3A_34 = tpu.memref_slice %arg12[%add3A_30, %dma_wait3A] : memref<10240x32xf32, #tpu.memory_space<vmem_shared>> -> memref<128x32xf32, #tpu.memory_space<vmem_shared>>
        %dma_wait3A_35 = arith.constant 0 : i32
        %dma_wait3A_36 = tpu.memref_slice %arg12[%add3A_30, %dma_wait3A_35] : memref<10240x32xf32, #tpu.memory_space<vmem_shared>> -> memref<128x32xf32, #tpu.memory_space<vmem_shared>>
        tpu.wait_dma2 semaphore(%run_scoped3A : memref<!tpu.dma_semaphore, #tpu.memory_space<semaphore_mem>>) src(%arg8 : memref<128x32xf32, #tpu.memory_space<vmem>>) dst(%dma_wait3A_36 : memref<128x32xf32, #tpu.memory_space<vmem_shared>>)
        tpu.yield
      }) : () -> ()
    }
    %scan3A_16 = arith.constant 5 : i32
    %barrier3A = arith.constant 0 : index
    tpu.barrier barrier_id(%barrier3A)
    %scan3A_17 = arith.constant 0 : i32
    %scan3A_18 = arith.constant 0 : i32
    %scan3A_19 = arith.constant 40 : i32
    %scan3A_20 = arith.addi %scan3A_18, %scan3A_19 : i32
    %scan3A_21 = arith.constant 1 : i32
    scf.for %scan3A_24 = %scan3A_18 to %scan3A_20 step %scan3A_21  : i32 {
      %mul3A_25 = arith.constant 32 : i32
      %mul3A_26 = arith.muli %scan3A_24, %mul3A_25 : i32
      %add3A_27 = arith.addi %add3A, %mul3A_26 : i32
      %lt3A = arith.constant 1250 : i32
      %lt3A_28 = arith.cmpi slt, %add3A_27, %lt3A : i32
      %convert_element_type3A = arith.extui %lt3A_28 : i1 to i32
      %cond3A = arith.constant 0 : i32
      %cond3A_29 = arith.cmpi ne, %convert_element_type3A, %cond3A : i32
      scf.if %cond3A_29 {
        "tpu.region"() ({
          %run_scoped3A = tpu.sem_alloc : memref<!tpu.dma_semaphore, #tpu.memory_space<semaphore_mem>>
          %dma_start3A = arith.constant 0 : i32
          %dma_start3A_32 = tpu.memref_slice %arg3[%add3A_27, %dma_start3A] : memref<1250x128xi32, #tpu.memory_space<hbm>> -> memref<1x128xi32, #tpu.memory_space<hbm>>
          %dma_start3A_33 = tpu.memref_squeeze %dma_start3A_32 : memref<1x128xi32, #tpu.memory_space<hbm>> -> memref<128xi32, #tpu.memory_space<hbm>>
          %dma_start3A_34 = arith.constant 0 : i32
          %dma_start3A_35 = tpu.memref_slice %arg3[%add3A_27, %dma_start3A_34] : memref<1250x128xi32, #tpu.memory_space<hbm>> -> memref<1x128xi32, #tpu.memory_space<hbm>>
          %dma_start3A_36 = tpu.memref_squeeze %dma_start3A_35 : memref<1x128xi32, #tpu.memory_space<hbm>> -> memref<128xi32, #tpu.memory_space<hbm>>
          tpu.enqueue_dma source(%dma_start3A_36 : memref<128xi32, #tpu.memory_space<hbm>>) target(%arg6 : memref<128xi32, #tpu.memory_space<vmem>>) target_semaphore(%run_scoped3A : memref<!tpu.dma_semaphore, #tpu.memory_space<semaphore_mem>>)
          %dma_wait3A = arith.constant 0 : i32
          %dma_wait3A_37 = tpu.memref_slice %arg3[%add3A_27, %dma_wait3A] : memref<1250x128xi32, #tpu.memory_space<hbm>> -> memref<1x128xi32, #tpu.memory_space<hbm>>
          %dma_wait3A_38 = tpu.memref_squeeze %dma_wait3A_37 : memref<1x128xi32, #tpu.memory_space<hbm>> -> memref<128xi32, #tpu.memory_space<hbm>>
          %dma_wait3A_39 = arith.constant 0 : i32
          %dma_wait3A_40 = tpu.memref_slice %arg3[%add3A_27, %dma_wait3A_39] : memref<1250x128xi32, #tpu.memory_space<hbm>> -> memref<1x128xi32, #tpu.memory_space<hbm>>
          %dma_wait3A_41 = tpu.memref_squeeze %dma_wait3A_40 : memref<1x128xi32, #tpu.memory_space<hbm>> -> memref<128xi32, #tpu.memory_space<hbm>>
          tpu.wait_dma2 semaphore(%run_scoped3A : memref<!tpu.dma_semaphore, #tpu.memory_space<semaphore_mem>>) src(%dma_wait3A_41 : memref<128xi32, #tpu.memory_space<hbm>>) dst(%arg6 : memref<128xi32, #tpu.memory_space<vmem>>)
          tpu.yield
        }) : () -> ()
        %mul3A_30 = arith.constant 128 : i32
        %mul3A_31 = arith.muli %add3A_27, %mul3A_30 : i32
        "tpu.region"() ({
          %run_scoped3A = tpu.sem_alloc : memref<!tpu.dma_semaphore, #tpu.memory_space<semaphore_mem>>
          %dma_start3A = arith.constant 0 : i32
          %dma_start3A_32 = tpu.memref_slice %arg2[%mul3A_31, %dma_start3A] : memref<160000x32xf32, #tpu.memory_space<hbm>> -> memref<128x32xf32, #tpu.memory_space<hbm>>
          %dma_start3A_33 = arith.constant 0 : i32
          %dma_start3A_34 = tpu.memref_slice %arg2[%mul3A_31, %dma_start3A_33] : memref<160000x32xf32, #tpu.memory_space<hbm>> -> memref<128x32xf32, #tpu.memory_space<hbm>>
          tpu.enqueue_dma source(%dma_start3A_34 : memref<128x32xf32, #tpu.memory_space<hbm>>) target(%arg7 : memref<128x32xf32, #tpu.memory_space<vmem>>) target_semaphore(%run_scoped3A : memref<!tpu.dma_semaphore, #tpu.memory_space<semaphore_mem>>)
          %dma_wait3A = arith.constant 0 : i32
          %dma_wait3A_35 = tpu.memref_slice %arg2[%mul3A_31, %dma_wait3A] : memref<160000x32xf32, #tpu.memory_space<hbm>> -> memref<128x32xf32, #tpu.memory_space<hbm>>
          %dma_wait3A_36 = arith.constant 0 : i32
          %dma_wait3A_37 = tpu.memref_slice %arg2[%mul3A_31, %dma_wait3A_36] : memref<160000x32xf32, #tpu.memory_space<hbm>> -> memref<128x32xf32, #tpu.memory_space<hbm>>
          tpu.wait_dma2 semaphore(%run_scoped3A : memref<!tpu.dma_semaphore, #tpu.memory_space<semaphore_mem>>) src(%dma_wait3A_37 : memref<128x32xf32, #tpu.memory_space<hbm>>) dst(%arg7 : memref<128x32xf32, #tpu.memory_space<vmem>>)
          tpu.yield
        }) : () -> ()
        "tpu.region"() ({
          %run_scoped3A = tpu.sem_alloc : memref<!tpu.dma_semaphore, #tpu.memory_space<semaphore_mem>>
          %dma_start3A = arith.constant 0 : i32
          %dma_start3A_32 = arith.constant 0 : i32
          %dma_start3A_33 = tpu.memref_slice %arg10[%dma_start3A, %dma_start3A_32] : memref<10240x32xf32, #tpu.memory_space<vmem_shared>> -> memref<10240x32xf32, #tpu.memory_space<vmem_shared>>
          tpu.enqueue_indirect_dma source(%arg7 : memref<128x32xf32, #tpu.memory_space<vmem>>) target(%dma_start3A_33 : memref<10240x32xf32, #tpu.memory_space<vmem_shared>>) offsets(%arg6 : memref<128xi32, #tpu.memory_space<vmem>>) semaphore(%run_scoped3A : memref<!tpu.dma_semaphore, #tpu.memory_space<semaphore_mem>>) {add = true}
          %dma_wait3A = arith.constant 0 : i32
          %dma_wait3A_34 = arith.constant 0 : i32
          %dma_wait3A_35 = tpu.memref_slice %arg10[%dma_wait3A, %dma_wait3A_34] : memref<10240x32xf32, #tpu.memory_space<vmem_shared>> -> memref<10240x32xf32, #tpu.memory_space<vmem_shared>>
          tpu.wait_indirect_dma semaphore(%run_scoped3A : memref<!tpu.dma_semaphore, #tpu.memory_space<semaphore_mem>>) src(%arg7 : memref<128x32xf32, #tpu.memory_space<vmem>>) dst(%dma_wait3A_35 : memref<10240x32xf32, #tpu.memory_space<vmem_shared>>)
          tpu.yield
        }) : () -> ()
        "tpu.region"() ({
          %run_scoped3A = tpu.sem_alloc : memref<!tpu.dma_semaphore, #tpu.memory_space<semaphore_mem>>
          %dma_start3A = arith.constant 0 : i32
          %dma_start3A_32 = arith.constant 0 : i32
          %dma_start3A_33 = tpu.memref_slice %arg12[%dma_start3A, %dma_start3A_32] : memref<10240x32xf32, #tpu.memory_space<vmem_shared>> -> memref<10240x32xf32, #tpu.memory_space<vmem_shared>>
          tpu.enqueue_indirect_dma source(%arg11 : memref<128x32xf32, #tpu.memory_space<vmem>>) target(%dma_start3A_33 : memref<10240x32xf32, #tpu.memory_space<vmem_shared>>) offsets(%arg6 : memref<128xi32, #tpu.memory_space<vmem>>) semaphore(%run_scoped3A : memref<!tpu.dma_semaphore, #tpu.memory_space<semaphore_mem>>) {add = true}
          %dma_wait3A = arith.constant 0 : i32
          %dma_wait3A_34 = arith.constant 0 : i32
          %dma_wait3A_35 = tpu.memref_slice %arg12[%dma_wait3A, %dma_wait3A_34] : memref<10240x32xf32, #tpu.memory_space<vmem_shared>> -> memref<10240x32xf32, #tpu.memory_space<vmem_shared>>
          tpu.wait_indirect_dma semaphore(%run_scoped3A : memref<!tpu.dma_semaphore, #tpu.memory_space<semaphore_mem>>) src(%arg11 : memref<128x32xf32, #tpu.memory_space<vmem>>) dst(%dma_wait3A_35 : memref<10240x32xf32, #tpu.memory_space<vmem_shared>>)
          tpu.yield
        }) : () -> ()
      } else {
      }
    }
    %scan3A_22 = arith.constant 40 : i32
    %barrier3A_23 = arith.constant 0 : index
    tpu.barrier barrier_id(%barrier3A_23)
    "tpu.region"() ({
      %run_scoped3A = tpu.sem_alloc : memref<!tpu.dma_semaphore, #tpu.memory_space<semaphore_mem>>
      %dma_start3A = arith.constant 0 : i32
      %dma_start3A_24 = tpu.memref_slice %arg10[%mul3A_2, %dma_start3A] : memref<10240x32xf32, #tpu.memory_space<vmem_shared>> -> memref<640x32xf32, #tpu.memory_space<vmem_shared>>
      %dma_start3A_25 = arith.constant 0 : i32
      %dma_start3A_26 = tpu.memref_slice %arg10[%mul3A_2, %dma_start3A_25] : memref<10240x32xf32, #tpu.memory_space<vmem_shared>> -> memref<640x32xf32, #tpu.memory_space<vmem_shared>>
      tpu.enqueue_dma source(%dma_start3A_26 : memref<640x32xf32, #tpu.memory_space<vmem_shared>>) target(%arg9 : memref<640x32xf32, #tpu.memory_space<vmem>>) target_semaphore(%run_scoped3A : memref<!tpu.dma_semaphore, #tpu.memory_space<semaphore_mem>>)
      %dma_wait3A = arith.constant 0 : i32
      %dma_wait3A_27 = tpu.memref_slice %arg10[%mul3A_2, %dma_wait3A] : memref<10240x32xf32, #tpu.memory_space<vmem_shared>> -> memref<640x32xf32, #tpu.memory_space<vmem_shared>>
      %dma_wait3A_28 = arith.constant 0 : i32
      %dma_wait3A_29 = tpu.memref_slice %arg10[%mul3A_2, %dma_wait3A_28] : memref<10240x32xf32, #tpu.memory_space<vmem_shared>> -> memref<640x32xf32, #tpu.memory_space<vmem_shared>>
      tpu.wait_dma2 semaphore(%run_scoped3A : memref<!tpu.dma_semaphore, #tpu.memory_space<semaphore_mem>>) src(%dma_wait3A_29 : memref<640x32xf32, #tpu.memory_space<vmem_shared>>) dst(%arg9 : memref<640x32xf32, #tpu.memory_space<vmem>>)
      tpu.yield
    }) : () -> ()
    "tpu.region"() ({
      %run_scoped3A = tpu.sem_alloc : memref<!tpu.dma_semaphore, #tpu.memory_space<semaphore_mem>>
      %dma_start3A = arith.constant 0 : i32
      %dma_start3A_24 = tpu.memref_slice %arg4[%arg0, %mul3A_2, %dma_start3A] : memref<2x10240x32xf32, #tpu.memory_space<hbm>> -> memref<1x640x32xf32, #tpu.memory_space<hbm>>
      %dma_start3A_25 = tpu.memref_squeeze %dma_start3A_24 : memref<1x640x32xf32, #tpu.memory_space<hbm>> -> memref<640x32xf32, #tpu.memory_space<hbm>>
      %dma_start3A_26 = arith.constant 0 : i32
      %dma_start3A_27 = tpu.memref_slice %arg4[%arg0, %mul3A_2, %dma_start3A_26] : memref<2x10240x32xf32, #tpu.memory_space<hbm>> -> memref<1x640x32xf32, #tpu.memory_space<hbm>>
      %dma_start3A_28 = tpu.memref_squeeze %dma_start3A_27 : memref<1x640x32xf32, #tpu.memory_space<hbm>> -> memref<640x32xf32, #tpu.memory_space<hbm>>
      tpu.enqueue_dma source(%arg9 : memref<640x32xf32, #tpu.memory_space<vmem>>) target(%dma_start3A_28 : memref<640x32xf32, #tpu.memory_space<hbm>>) target_semaphore(%run_scoped3A : memref<!tpu.dma_semaphore, #tpu.memory_space<semaphore_mem>>)
      %dma_wait3A = arith.constant 0 : i32
      %dma_wait3A_29 = tpu.memref_slice %arg4[%arg0, %mul3A_2, %dma_wait3A] : memref<2x10240x32xf32, #tpu.memory_space<hbm>> -> memref<1x640x32xf32, #tpu.memory_space<hbm>>
      %dma_wait3A_30 = tpu.memref_squeeze %dma_wait3A_29 : memref<1x640x32xf32, #tpu.memory_space<hbm>> -> memref<640x32xf32, #tpu.memory_space<hbm>>
      %dma_wait3A_31 = arith.constant 0 : i32
      %dma_wait3A_32 = tpu.memref_slice %arg4[%arg0, %mul3A_2, %dma_wait3A_31] : memref<2x10240x32xf32, #tpu.memory_space<hbm>> -> memref<1x640x32xf32, #tpu.memory_space<hbm>>
      %dma_wait3A_33 = tpu.memref_squeeze %dma_wait3A_32 : memref<1x640x32xf32, #tpu.memory_space<hbm>> -> memref<640x32xf32, #tpu.memory_space<hbm>>
      tpu.wait_dma2 semaphore(%run_scoped3A : memref<!tpu.dma_semaphore, #tpu.memory_space<semaphore_mem>>) src(%arg9 : memref<640x32xf32, #tpu.memory_space<vmem>>) dst(%dma_wait3A_33 : memref<640x32xf32, #tpu.memory_space<hbm>>)
      tpu.yield
    }) : () -> ()
    "tpu.region"() ({
      %run_scoped3A = tpu.sem_alloc : memref<!tpu.dma_semaphore, #tpu.memory_space<semaphore_mem>>
      %dma_start3A = arith.constant 0 : i32
      %dma_start3A_24 = tpu.memref_slice %arg12[%mul3A_2, %dma_start3A] : memref<10240x32xf32, #tpu.memory_space<vmem_shared>> -> memref<640x32xf32, #tpu.memory_space<vmem_shared>>
      %dma_start3A_25 = arith.constant 0 : i32
      %dma_start3A_26 = tpu.memref_slice %arg12[%mul3A_2, %dma_start3A_25] : memref<10240x32xf32, #tpu.memory_space<vmem_shared>> -> memref<640x32xf32, #tpu.memory_space<vmem_shared>>
      tpu.enqueue_dma source(%dma_start3A_26 : memref<640x32xf32, #tpu.memory_space<vmem_shared>>) target(%arg9 : memref<640x32xf32, #tpu.memory_space<vmem>>) target_semaphore(%run_scoped3A : memref<!tpu.dma_semaphore, #tpu.memory_space<semaphore_mem>>)
      %dma_wait3A = arith.constant 0 : i32
      %dma_wait3A_27 = tpu.memref_slice %arg12[%mul3A_2, %dma_wait3A] : memref<10240x32xf32, #tpu.memory_space<vmem_shared>> -> memref<640x32xf32, #tpu.memory_space<vmem_shared>>
      %dma_wait3A_28 = arith.constant 0 : i32
      %dma_wait3A_29 = tpu.memref_slice %arg12[%mul3A_2, %dma_wait3A_28] : memref<10240x32xf32, #tpu.memory_space<vmem_shared>> -> memref<640x32xf32, #tpu.memory_space<vmem_shared>>
      tpu.wait_dma2 semaphore(%run_scoped3A : memref<!tpu.dma_semaphore, #tpu.memory_space<semaphore_mem>>) src(%dma_wait3A_29 : memref<640x32xf32, #tpu.memory_space<vmem_shared>>) dst(%arg9 : memref<640x32xf32, #tpu.memory_space<vmem>>)
      tpu.yield
    }) : () -> ()
    "tpu.region"() ({
      %run_scoped3A = tpu.sem_alloc : memref<!tpu.dma_semaphore, #tpu.memory_space<semaphore_mem>>
      %dma_start3A = arith.constant 0 : i32
      %dma_start3A_24 = tpu.memref_slice %arg5[%arg0, %mul3A_2, %dma_start3A] : memref<2x10240x32xf32, #tpu.memory_space<hbm>> -> memref<1x640x32xf32, #tpu.memory_space<hbm>>
      %dma_start3A_25 = tpu.memref_squeeze %dma_start3A_24 : memref<1x640x32xf32, #tpu.memory_space<hbm>> -> memref<640x32xf32, #tpu.memory_space<hbm>>
      %dma_start3A_26 = arith.constant 0 : i32
      %dma_start3A_27 = tpu.memref_slice %arg5[%arg0, %mul3A_2, %dma_start3A_26] : memref<2x10240x32xf32, #tpu.memory_space<hbm>> -> memref<1x640x32xf32, #tpu.memory_space<hbm>>
      %dma_start3A_28 = tpu.memref_squeeze %dma_start3A_27 : memref<1x640x32xf32, #tpu.memory_space<hbm>> -> memref<640x32xf32, #tpu.memory_space<hbm>>
      tpu.enqueue_dma source(%arg9 : memref<640x32xf32, #tpu.memory_space<vmem>>) target(%dma_start3A_28 : memref<640x32xf32, #tpu.memory_space<hbm>>) target_semaphore(%run_scoped3A : memref<!tpu.dma_semaphore, #tpu.memory_space<semaphore_mem>>)
      %dma_wait3A = arith.constant 0 : i32
      %dma_wait3A_29 = tpu.memref_slice %arg5[%arg0, %mul3A_2, %dma_wait3A] : memref<2x10240x32xf32, #tpu.memory_space<hbm>> -> memref<1x640x32xf32, #tpu.memory_space<hbm>>
      %dma_wait3A_30 = tpu.memref_squeeze %dma_wait3A_29 : memref<1x640x32xf32, #tpu.memory_space<hbm>> -> memref<640x32xf32, #tpu.memory_space<hbm>>
      %dma_wait3A_31 = arith.constant 0 : i32
      %dma_wait3A_32 = tpu.memref_slice %arg5[%arg0, %mul3A_2, %dma_wait3A_31] : memref<2x10240x32xf32, #tpu.memory_space<hbm>> -> memref<1x640x32xf32, #tpu.memory_space<hbm>>
      %dma_wait3A_33 = tpu.memref_squeeze %dma_wait3A_32 : memref<1x640x32xf32, #tpu.memory_space<hbm>> -> memref<640x32xf32, #tpu.memory_space<hbm>>
      tpu.wait_dma2 semaphore(%run_scoped3A : memref<!tpu.dma_semaphore, #tpu.memory_space<semaphore_mem>>) src(%arg9 : memref<640x32xf32, #tpu.memory_space<vmem>>) dst(%dma_wait3A_33 : memref<640x32xf32, #tpu.memory_space<hbm>>)
      tpu.yield
    }) : () -> ()
    return
  }
}

module attributes {stable_mosaic.version = 14 : i64} {
  func.func @_fc1_body(%arg0: i32, %arg1: memref<1000x1xf32, #tpu.memory_space<vmem>>, %arg2: memref<1x32xf32, #tpu.memory_space<vmem>>, %arg3: memref<1x32xf32, #tpu.memory_space<vmem>>, %arg4: memref<1000x32xf32, #tpu.memory_space<vmem>>) attributes {dimension_semantics = [#tpu.dimension_semantics<arbitrary>], iteration_bounds = array<i64: 10>, scalar_prefetch = 0 : i64, scratch_operands = 0 : i64, tpu.core_type = #tpu.core_type<tc>, window_params = [{transform_indices = @transform_0, window_bounds = array<i64: 1000, 1>}, {pipeline_mode = #tpu.pipeline_mode<synchronous>, transform_indices = @transform_1, window_bounds = array<i64: 1, 32>}, {pipeline_mode = #tpu.pipeline_mode<synchronous>, transform_indices = @transform_2, window_bounds = array<i64: 1, 32>}, {transform_indices = @transform_3, window_bounds = array<i64: 1000, 32>}]} {
    %get3A = arith.constant 0 : index
    %get3A_0 = arith.constant 0 : index
    %get3A_1 = vector.load %arg1[%get3A, %get3A_0] : memref<1000x1xf32, #tpu.memory_space<vmem>>, vector<1000x1xf32>
    %get3A_2 = arith.constant 0 : index
    %get3A_3 = arith.constant 0 : index
    %get3A_4 = vector.load %arg2[%get3A_2, %get3A_3] : memref<1x32xf32, #tpu.memory_space<vmem>>, vector<1x32xf32>
    %mul3A = vector.broadcast %get3A_1 : vector<1000x1xf32> to vector<1000x32xf32>
    %mul3A_5 = vector.broadcast %get3A_4 : vector<1x32xf32> to vector<1000x32xf32>
    %mul3A_6 = arith.mulf %mul3A, %mul3A_5 : vector<1000x32xf32>
    %get3A_7 = arith.constant 0 : index
    %get3A_8 = arith.constant 0 : index
    %get3A_9 = vector.load %arg3[%get3A_7, %get3A_8] : memref<1x32xf32, #tpu.memory_space<vmem>>, vector<1x32xf32>
    %add3A = vector.broadcast %get3A_9 : vector<1x32xf32> to vector<1000x32xf32>
    %add3A_10 = arith.addf %mul3A_6, %add3A : vector<1000x32xf32>
    %swap3A = arith.constant 0 : index
    %swap3A_11 = arith.constant 0 : index
    %swap3A_12 = vector.load %arg4[%swap3A, %swap3A_11] : memref<1000x32xf32, #tpu.memory_space<vmem>>, vector<1000x32xf32>
    tpu.vector_store %arg4[%swap3A, %swap3A_11], %add3A_10 {strides = array<i32>} : memref<1000x32xf32, #tpu.memory_space<vmem>>, vector<1000x32xf32>,
    return
  }
  func.func @transform_0(%arg0: i32) -> (i32, i32) {
    %c0_i32 = arith.constant 0 : i32
    %c0_i32_0 = arith.constant 0 : i32
    return %arg0, %c0_i32 : i32, i32
  }
  func.func @transform_1(%arg0: i32) -> (i32, i32) {
    %c0_i32 = arith.constant 0 : i32
    %c0_i32_0 = arith.constant 0 : i32
    %c0_i32_1 = arith.constant 0 : i32
    return %c0_i32, %c0_i32_0 : i32, i32
  }
  func.func @transform_2(%arg0: i32) -> (i32, i32) {
    %c0_i32 = arith.constant 0 : i32
    %c0_i32_0 = arith.constant 0 : i32
    %c0_i32_1 = arith.constant 0 : i32
    return %c0_i32, %c0_i32_0 : i32, i32
  }
  func.func @transform_3(%arg0: i32) -> (i32, i32) {
    %c0_i32 = arith.constant 0 : i32
    %c0_i32_0 = arith.constant 0 : i32
    return %arg0, %c0_i32 : i32, i32
  }
}

module attributes {stable_mosaic.version = 14 : i64} {
  func.func @_msg_body(%arg0: i32, %arg1: memref<1280x6xf32, #tpu.memory_space<vmem>>, %arg2: memref<1280x32xf32, #tpu.memory_space<vmem>>, %arg3: memref<6x64xf32, #tpu.memory_space<vmem>>, %arg4: memref<1x64xf32, #tpu.memory_space<vmem>>, %arg5: memref<64x128xf32, #tpu.memory_space<vmem>>, %arg6: memref<1x128xf32, #tpu.memory_space<vmem>>, %arg7: memref<128x1024xf32, #tpu.memory_space<vmem>>, %arg8: memref<1x1024xf32, #tpu.memory_space<vmem>>, %arg9: memref<32x1024xf32, #tpu.memory_space<vmem>>, %arg10: memref<1024x32xf32, #tpu.memory_space<vmem>>, %arg11: memref<1280x32xf32, #tpu.memory_space<vmem>>) attributes {dimension_semantics = [#tpu.dimension_semantics<arbitrary>], iteration_bounds = array<i64: 125>, scalar_prefetch = 0 : i64, scratch_operands = 0 : i64, tpu.core_type = #tpu.core_type<tc>, window_params = [{transform_indices = @transform_0, window_bounds = array<i64: 1280, 6>}, {transform_indices = @transform_1, window_bounds = array<i64: 1280, 32>}, {pipeline_mode = #tpu.pipeline_mode<synchronous>, transform_indices = @transform_2, window_bounds = array<i64: 6, 64>}, {pipeline_mode = #tpu.pipeline_mode<synchronous>, transform_indices = @transform_3, window_bounds = array<i64: 1, 64>}, {pipeline_mode = #tpu.pipeline_mode<synchronous>, transform_indices = @transform_4, window_bounds = array<i64: 64, 128>}, {pipeline_mode = #tpu.pipeline_mode<synchronous>, transform_indices = @transform_5, window_bounds = array<i64: 1, 128>}, {pipeline_mode = #tpu.pipeline_mode<synchronous>, transform_indices = @transform_6, window_bounds = array<i64: 128, 1024>}, {pipeline_mode = #tpu.pipeline_mode<synchronous>, transform_indices = @transform_7, window_bounds = array<i64: 1, 1024>}, {pipeline_mode = #tpu.pipeline_mode<synchronous>, transform_indices = @transform_8, window_bounds = array<i64: 32, 1024>}, {pipeline_mode = #tpu.pipeline_mode<synchronous>, transform_indices = @transform_9, window_bounds = array<i64: 1024, 32>}, {transform_indices = @transform_10, window_bounds = array<i64: 1280, 32>}]} {
    %get3A = arith.constant 0 : index
    %get3A_0 = arith.constant 0 : index
    %get3A_1 = vector.load %arg1[%get3A, %get3A_0] : memref<1280x6xf32, #tpu.memory_space<vmem>>, vector<1280x6xf32>
    %get3A_2 = arith.constant 0 : index
    %get3A_3 = arith.constant 0 : index
    %get3A_4 = vector.load %arg3[%get3A_2, %get3A_3] : memref<6x64xf32, #tpu.memory_space<vmem>>, vector<6x64xf32>
    %dot_general3A = arith.constant dense<0.000000e+00> : vector<1280x64xf32>
    %dot_general3A_5 = tpu.matmul %get3A_1, %get3A_4, %dot_general3A {dimension_numbers = #tpu.dot_dimension_numbers<[1], [0], [0], [1], [0, 0, 1, 1], [], []>, transpose_lhs_hint = false} : vector<1280x6xf32>, vector<6x64xf32>, vector<1280x64xf32> -> vector<1280x64xf32>
    %get3A_6 = arith.constant 0 : index
    %get3A_7 = arith.constant 0 : index
    %get3A_8 = vector.load %arg4[%get3A_6, %get3A_7] : memref<1x64xf32, #tpu.memory_space<vmem>>, vector<1x64xf32>
    %add3A = vector.broadcast %get3A_8 : vector<1x64xf32> to vector<1280x64xf32>
    %add3A_9 = arith.addf %dot_general3A_5, %add3A : vector<1280x64xf32>
    %max3A = arith.constant 0.000000e+00 : f32
    %max3A_10 = vector.broadcast %max3A : f32 to vector<1280x64xf32>
    %max3A_11 = arith.maximumf %add3A_9, %max3A_10 : vector<1280x64xf32>
    %get3A_12 = arith.constant 0 : index
    %get3A_13 = arith.constant 0 : index
    %get3A_14 = vector.load %arg5[%get3A_12, %get3A_13] : memref<64x128xf32, #tpu.memory_space<vmem>>, vector<64x128xf32>
    %dot_general3A_15 = arith.constant dense<0.000000e+00> : vector<1280x128xf32>
    %dot_general3A_16 = tpu.matmul %max3A_11, %get3A_14, %dot_general3A_15 {dimension_numbers = #tpu.dot_dimension_numbers<[1], [0], [0], [1], [0, 0, 1, 1], [], []>, transpose_lhs_hint = false} : vector<1280x64xf32>, vector<64x128xf32>, vector<1280x128xf32> -> vector<1280x128xf32>
    %get3A_17 = arith.constant 0 : index
    %get3A_18 = arith.constant 0 : index
    %get3A_19 = vector.load %arg6[%get3A_17, %get3A_18] : memref<1x128xf32, #tpu.memory_space<vmem>>, vector<1x128xf32>
    %add3A_20 = vector.broadcast %get3A_19 : vector<1x128xf32> to vector<1280x128xf32>
    %add3A_21 = arith.addf %dot_general3A_16, %add3A_20 : vector<1280x128xf32>
    %max3A_22 = arith.constant 0.000000e+00 : f32
    %max3A_23 = vector.broadcast %max3A_22 : f32 to vector<1280x128xf32>
    %max3A_24 = arith.maximumf %add3A_21, %max3A_23 : vector<1280x128xf32>
    %get3A_25 = arith.constant 0 : index
    %get3A_26 = arith.constant 0 : index
    %get3A_27 = vector.load %arg7[%get3A_25, %get3A_26] : memref<128x1024xf32, #tpu.memory_space<vmem>>, vector<128x1024xf32>
    %dot_general3A_28 = arith.constant dense<0.000000e+00> : vector<1280x1024xf32>
    %dot_general3A_29 = tpu.matmul %max3A_24, %get3A_27, %dot_general3A_28 {dimension_numbers = #tpu.dot_dimension_numbers<[1], [0], [0], [1], [0, 0, 1, 1], [], []>, transpose_lhs_hint = false} : vector<1280x128xf32>, vector<128x1024xf32>, vector<1280x1024xf32> -> vector<1280x1024xf32>
    %get3A_30 = arith.constant 0 : index
    %get3A_31 = arith.constant 0 : index
    %get3A_32 = vector.load %arg8[%get3A_30, %get3A_31] : memref<1x1024xf32, #tpu.memory_space<vmem>>, vector<1x1024xf32>
    %add3A_33 = vector.broadcast %get3A_32 : vector<1x1024xf32> to vector<1280x1024xf32>
    %add3A_34 = arith.addf %dot_general3A_29, %add3A_33 : vector<1280x1024xf32>
    %get3A_35 = arith.constant 0 : index
    %get3A_36 = arith.constant 0 : index
    %get3A_37 = vector.load %arg2[%get3A_35, %get3A_36] : memref<1280x32xf32, #tpu.memory_space<vmem>>, vector<1280x32xf32>
    %get3A_38 = arith.constant 0 : index
    %get3A_39 = arith.constant 0 : index
    %get3A_40 = vector.load %arg9[%get3A_38, %get3A_39] : memref<32x1024xf32, #tpu.memory_space<vmem>>, vector<32x1024xf32>
    %dot_general3A_41 = arith.constant dense<0.000000e+00> : vector<1280x1024xf32>
    %dot_general3A_42 = tpu.matmul %get3A_37, %get3A_40, %dot_general3A_41 {dimension_numbers = #tpu.dot_dimension_numbers<[1], [0], [0], [1], [0, 0, 1, 1], [], []>, transpose_lhs_hint = false} : vector<1280x32xf32>, vector<32x1024xf32>, vector<1280x1024xf32> -> vector<1280x1024xf32>
    %mul3A = arith.mulf %add3A_34, %dot_general3A_42 : vector<1280x1024xf32>
    %get3A_43 = arith.constant 0 : index
    %get3A_44 = arith.constant 0 : index
    %get3A_45 = vector.load %arg10[%get3A_43, %get3A_44] : memref<1024x32xf32, #tpu.memory_space<vmem>>, vector<1024x32xf32>
    %dot_general3A_46 = arith.constant dense<0.000000e+00> : vector<1280x32xf32>
    %dot_general3A_47 = tpu.matmul %mul3A, %get3A_45, %dot_general3A_46 {dimension_numbers = #tpu.dot_dimension_numbers<[1], [0], [0], [1], [0, 0, 1, 1], [], []>, transpose_lhs_hint = false} : vector<1280x1024xf32>, vector<1024x32xf32>, vector<1280x32xf32> -> vector<1280x32xf32>
    %swap3A = arith.constant 0 : index
    %swap3A_48 = arith.constant 0 : index
    %swap3A_49 = vector.load %arg11[%swap3A, %swap3A_48] : memref<1280x32xf32, #tpu.memory_space<vmem>>, vector<1280x32xf32>
    tpu.vector_store %arg11[%swap3A, %swap3A_48], %dot_general3A_47 {strides = array<i32>} : memref<1280x32xf32, #tpu.memory_space<vmem>>, vector<1280x32xf32>,
    return
  }
  func.func @transform_0(%arg0: i32) -> (i32, i32) {
    %c0_i32 = arith.constant 0 : i32
    %c0_i32_0 = arith.constant 0 : i32
    return %arg0, %c0_i32 : i32, i32
  }
  func.func @transform_1(%arg0: i32) -> (i32, i32) {
    %c0_i32 = arith.constant 0 : i32
    %c0_i32_0 = arith.constant 0 : i32
    return %arg0, %c0_i32 : i32, i32
  }
  func.func @transform_2(%arg0: i32) -> (i32, i32) {
    %c0_i32 = arith.constant 0 : i32
    %c0_i32_0 = arith.constant 0 : i32
    %c0_i32_1 = arith.constant 0 : i32
    return %c0_i32, %c0_i32_0 : i32, i32
  }
  func.func @transform_3(%arg0: i32) -> (i32, i32) {
    %c0_i32 = arith.constant 0 : i32
    %c0_i32_0 = arith.constant 0 : i32
    %c0_i32_1 = arith.constant 0 : i32
    return %c0_i32, %c0_i32_0 : i32, i32
  }
  func.func @transform_4(%arg0: i32) -> (i32, i32) {
    %c0_i32 = arith.constant 0 : i32
    %c0_i32_0 = arith.constant 0 : i32
    %c0_i32_1 = arith.constant 0 : i32
    return %c0_i32, %c0_i32_0 : i32, i32
  }
  func.func @transform_5(%arg0: i32) -> (i32, i32) {
    %c0_i32 = arith.constant 0 : i32
    %c0_i32_0 = arith.constant 0 : i32
    %c0_i32_1 = arith.constant 0 : i32
    return %c0_i32, %c0_i32_0 : i32, i32
  }
  func.func @transform_6(%arg0: i32) -> (i32, i32) {
    %c0_i32 = arith.constant 0 : i32
    %c0_i32_0 = arith.constant 0 : i32
    %c0_i32_1 = arith.constant 0 : i32
    return %c0_i32, %c0_i32_0 : i32, i32
  }
  func.func @transform_7(%arg0: i32) -> (i32, i32) {
    %c0_i32 = arith.constant 0 : i32
    %c0_i32_0 = arith.constant 0 : i32
    %c0_i32_1 = arith.constant 0 : i32
    return %c0_i32, %c0_i32_0 : i32, i32
  }
  func.func @transform_8(%arg0: i32) -> (i32, i32) {
    %c0_i32 = arith.constant 0 : i32
    %c0_i32_0 = arith.constant 0 : i32
    %c0_i32_1 = arith.constant 0 : i32
    return %c0_i32, %c0_i32_0 : i32, i32
  }
  func.func @transform_9(%arg0: i32) -> (i32, i32) {
    %c0_i32 = arith.constant 0 : i32
    %c0_i32_0 = arith.constant 0 : i32
    %c0_i32_1 = arith.constant 0 : i32
    return %c0_i32, %c0_i32_0 : i32, i32
  }
  func.func @transform_10(%arg0: i32) -> (i32, i32) {
    %c0_i32 = arith.constant 0 : i32
    %c0_i32_0 = arith.constant 0 : i32
    return %arg0, %c0_i32 : i32, i32
  }
}

module attributes {stable_mosaic.version = 14 : i64} {
  func.func @_comb_body(%arg0: i32, %arg1: memref<1000x32xf32, #tpu.memory_space<vmem>>, %arg2: memref<1000x32xf32, #tpu.memory_space<vmem>>, %arg3: memref<1000x32xf32, #tpu.memory_space<vmem>>, %arg4: memref<1000x32xf32, #tpu.memory_space<vmem>>, %arg5: memref<1000x32xf32, #tpu.memory_space<vmem>>, %arg6: memref<32x64xf32, #tpu.memory_space<vmem>>, %arg7: memref<1x64xf32, #tpu.memory_space<vmem>>, %arg8: memref<64x128xf32, #tpu.memory_space<vmem>>, %arg9: memref<1x128xf32, #tpu.memory_space<vmem>>, %arg10: memref<128x1024xf32, #tpu.memory_space<vmem>>, %arg11: memref<1x1024xf32, #tpu.memory_space<vmem>>, %arg12: memref<32x1024xf32, #tpu.memory_space<vmem>>, %arg13: memref<1024x32xf32, #tpu.memory_space<vmem>>, %arg14: memref<32x1xf32, #tpu.memory_space<vmem>>, %arg15: memref<1x1xf32, #tpu.memory_space<vmem>>, %arg16: memref<1000x32xf32, #tpu.memory_space<vmem>>, %arg17: memref<1000x1xf32, #tpu.memory_space<vmem>>) attributes {dimension_semantics = [#tpu.dimension_semantics<arbitrary>], iteration_bounds = array<i64: 10>, scalar_prefetch = 0 : i64, scratch_operands = 0 : i64, tpu.core_type = #tpu.core_type<tc>, window_params = [{transform_indices = @transform_0, window_bounds = array<i64: 1000, 32>}, {transform_indices = @transform_1, window_bounds = array<i64: 1000, 32>}, {transform_indices = @transform_2, window_bounds = array<i64: 1000, 32>}, {transform_indices = @transform_3, window_bounds = array<i64: 1000, 32>}, {transform_indices = @transform_4, window_bounds = array<i64: 1000, 32>}, {pipeline_mode = #tpu.pipeline_mode<synchronous>, transform_indices = @transform_5, window_bounds = array<i64: 32, 64>}, {pipeline_mode = #tpu.pipeline_mode<synchronous>, transform_indices = @transform_6, window_bounds = array<i64: 1, 64>}, {pipeline_mode = #tpu.pipeline_mode<synchronous>, transform_indices = @transform_7, window_bounds = array<i64: 64, 128>}, {pipeline_mode = #tpu.pipeline_mode<synchronous>, transform_indices = @transform_8, window_bounds = array<i64: 1, 128>}, {pipeline_mode = #tpu.pipeline_mode<synchronous>, transform_indices = @transform_9, window_bounds = array<i64: 128, 1024>}, {pipeline_mode = #tpu.pipeline_mode<synchronous>, transform_indices = @transform_10, window_bounds = array<i64: 1, 1024>}, {pipeline_mode = #tpu.pipeline_mode<synchronous>, transform_indices = @transform_11, window_bounds = array<i64: 32, 1024>}, {pipeline_mode = #tpu.pipeline_mode<synchronous>, transform_indices = @transform_12, window_bounds = array<i64: 1024, 32>}, {pipeline_mode = #tpu.pipeline_mode<synchronous>, transform_indices = @transform_13, window_bounds = array<i64: 32, 1>}, {pipeline_mode = #tpu.pipeline_mode<synchronous>, transform_indices = @transform_14, window_bounds = array<i64: 1, 1>}, {transform_indices = @transform_15, window_bounds = array<i64: 1000, 32>}, {transform_indices = @transform_16, window_bounds = array<i64: 1000, 1>}]} {
    %get3A = arith.constant 0 : index
    %get3A_0 = arith.constant 0 : index
    %get3A_1 = vector.load %arg1[%get3A, %get3A_0] : memref<1000x32xf32, #tpu.memory_space<vmem>>, vector<1000x32xf32>
    %get3A_2 = arith.constant 0 : index
    %get3A_3 = arith.constant 0 : index
    %get3A_4 = vector.load %arg6[%get3A_2, %get3A_3] : memref<32x64xf32, #tpu.memory_space<vmem>>, vector<32x64xf32>
    %dot_general3A = arith.constant dense<0.000000e+00> : vector<1000x64xf32>
    %dot_general3A_5 = tpu.matmul %get3A_1, %get3A_4, %dot_general3A {dimension_numbers = #tpu.dot_dimension_numbers<[1], [0], [0], [1], [0, 0, 1, 1], [], []>, transpose_lhs_hint = false} : vector<1000x32xf32>, vector<32x64xf32>, vector<1000x64xf32> -> vector<1000x64xf32>
    %get3A_6 = arith.constant 0 : index
    %get3A_7 = arith.constant 0 : index
    %get3A_8 = vector.load %arg7[%get3A_6, %get3A_7] : memref<1x64xf32, #tpu.memory_space<vmem>>, vector<1x64xf32>
    %add3A = vector.broadcast %get3A_8 : vector<1x64xf32> to vector<1000x64xf32>
    %add3A_9 = arith.addf %dot_general3A_5, %add3A : vector<1000x64xf32>
    %max3A = arith.constant 0.000000e+00 : f32
    %max3A_10 = vector.broadcast %max3A : f32 to vector<1000x64xf32>
    %max3A_11 = arith.maximumf %add3A_9, %max3A_10 : vector<1000x64xf32>
    %get3A_12 = arith.constant 0 : index
    %get3A_13 = arith.constant 0 : index
    %get3A_14 = vector.load %arg8[%get3A_12, %get3A_13] : memref<64x128xf32, #tpu.memory_space<vmem>>, vector<64x128xf32>
    %dot_general3A_15 = arith.constant dense<0.000000e+00> : vector<1000x128xf32>
    %dot_general3A_16 = tpu.matmul %max3A_11, %get3A_14, %dot_general3A_15 {dimension_numbers = #tpu.dot_dimension_numbers<[1], [0], [0], [1], [0, 0, 1, 1], [], []>, transpose_lhs_hint = false} : vector<1000x64xf32>, vector<64x128xf32>, vector<1000x128xf32> -> vector<1000x128xf32>
    %get3A_17 = arith.constant 0 : index
    %get3A_18 = arith.constant 0 : index
    %get3A_19 = vector.load %arg9[%get3A_17, %get3A_18] : memref<1x128xf32, #tpu.memory_space<vmem>>, vector<1x128xf32>
    %add3A_20 = vector.broadcast %get3A_19 : vector<1x128xf32> to vector<1000x128xf32>
    %add3A_21 = arith.addf %dot_general3A_16, %add3A_20 : vector<1000x128xf32>
    %max3A_22 = arith.constant 0.000000e+00 : f32
    %max3A_23 = vector.broadcast %max3A_22 : f32 to vector<1000x128xf32>
    %max3A_24 = arith.maximumf %add3A_21, %max3A_23 : vector<1000x128xf32>
    %get3A_25 = arith.constant 0 : index
    %get3A_26 = arith.constant 0 : index
    %get3A_27 = vector.load %arg10[%get3A_25, %get3A_26] : memref<128x1024xf32, #tpu.memory_space<vmem>>, vector<128x1024xf32>
    %dot_general3A_28 = arith.constant dense<0.000000e+00> : vector<1000x1024xf32>
    %dot_general3A_29 = tpu.matmul %max3A_24, %get3A_27, %dot_general3A_28 {dimension_numbers = #tpu.dot_dimension_numbers<[1], [0], [0], [1], [0, 0, 1, 1], [], []>, transpose_lhs_hint = false} : vector<1000x128xf32>, vector<128x1024xf32>, vector<1000x1024xf32> -> vector<1000x1024xf32>
    %get3A_30 = arith.constant 0 : index
    %get3A_31 = arith.constant 0 : index
    %get3A_32 = vector.load %arg11[%get3A_30, %get3A_31] : memref<1x1024xf32, #tpu.memory_space<vmem>>, vector<1x1024xf32>
    %add3A_33 = vector.broadcast %get3A_32 : vector<1x1024xf32> to vector<1000x1024xf32>
    %add3A_34 = arith.addf %dot_general3A_29, %add3A_33 : vector<1000x1024xf32>
    %get3A_35 = arith.constant 0 : index
    %get3A_36 = arith.constant 0 : index
    %get3A_37 = vector.load %arg12[%get3A_35, %get3A_36] : memref<32x1024xf32, #tpu.memory_space<vmem>>, vector<32x1024xf32>
    %dot_general3A_38 = arith.constant dense<0.000000e+00> : vector<1000x1024xf32>
    %dot_general3A_39 = tpu.matmul %get3A_1, %get3A_37, %dot_general3A_38 {dimension_numbers = #tpu.dot_dimension_numbers<[1], [0], [0], [1], [0, 0, 1, 1], [], []>, transpose_lhs_hint = false} : vector<1000x32xf32>, vector<32x1024xf32>, vector<1000x1024xf32> -> vector<1000x1024xf32>
    %mul3A = arith.mulf %dot_general3A_39, %add3A_34 : vector<1000x1024xf32>
    %get3A_40 = arith.constant 0 : index
    %get3A_41 = arith.constant 0 : index
    %get3A_42 = vector.load %arg13[%get3A_40, %get3A_41] : memref<1024x32xf32, #tpu.memory_space<vmem>>, vector<1024x32xf32>
    %dot_general3A_43 = arith.constant dense<0.000000e+00> : vector<1000x32xf32>
    %dot_general3A_44 = tpu.matmul %mul3A, %get3A_42, %dot_general3A_43 {dimension_numbers = #tpu.dot_dimension_numbers<[1], [0], [0], [1], [0, 0, 1, 1], [], []>, transpose_lhs_hint = false} : vector<1000x1024xf32>, vector<1024x32xf32>, vector<1000x32xf32> -> vector<1000x32xf32>
    %get3A_45 = arith.constant 0 : index
    %get3A_46 = arith.constant 0 : index
    %get3A_47 = vector.load %arg4[%get3A_45, %get3A_46] : memref<1000x32xf32, #tpu.memory_space<vmem>>, vector<1000x32xf32>
    %get3A_48 = arith.constant 0 : index
    %get3A_49 = arith.constant 0 : index
    %get3A_50 = vector.load %arg5[%get3A_48, %get3A_49] : memref<1000x32xf32, #tpu.memory_space<vmem>>, vector<1000x32xf32>
    %add3A_51 = arith.addf %get3A_47, %get3A_50 : vector<1000x32xf32>
    %max3A_52 = arith.constant 1.000000e+00 : f32
    %max3A_53 = vector.broadcast %max3A_52 : f32 to vector<1000x32xf32>
    %max3A_54 = arith.maximumf %add3A_51, %max3A_53 : vector<1000x32xf32>
    %slice3A = vector.extract_strided_slice %max3A_54 {offsets = [0, 0], sizes = [1000, 1], strides = [1, 1]} : vector<1000x32xf32> to vector<1000x1xf32>
    %get3A_55 = arith.constant 0 : index
    %get3A_56 = arith.constant 0 : index
    %get3A_57 = vector.load %arg2[%get3A_55, %get3A_56] : memref<1000x32xf32, #tpu.memory_space<vmem>>, vector<1000x32xf32>
    %get3A_58 = arith.constant 0 : index
    %get3A_59 = arith.constant 0 : index
    %get3A_60 = vector.load %arg3[%get3A_58, %get3A_59] : memref<1000x32xf32, #tpu.memory_space<vmem>>, vector<1000x32xf32>
    %add3A_61 = arith.addf %get3A_57, %get3A_60 : vector<1000x32xf32>
    %div3A = vector.broadcast %slice3A : vector<1000x1xf32> to vector<1000x32xf32>
    %div3A_62 = arith.divf %add3A_61, %div3A : vector<1000x32xf32>
    %mul3A_63 = arith.constant 5.000000e-01 : f32
    %mul3A_64 = vector.broadcast %mul3A_63 : f32 to vector<1000x32xf32>
    %mul3A_65 = arith.mulf %mul3A_64, %div3A_62 : vector<1000x32xf32>
    %sub3A = arith.subf %dot_general3A_44, %get3A_1 : vector<1000x32xf32>
    %mul3A_66 = arith.constant 5.000000e-01 : f32
    %mul3A_67 = vector.broadcast %mul3A_66 : f32 to vector<1000x32xf32>
    %mul3A_68 = arith.mulf %mul3A_67, %sub3A : vector<1000x32xf32>
    %add3A_69 = arith.addf %mul3A_65, %mul3A_68 : vector<1000x32xf32>
    %add3A_70 = arith.addf %add3A_69, %get3A_1 : vector<1000x32xf32>
    %swap3A = arith.constant 0 : index
    %swap3A_71 = arith.constant 0 : index
    %swap3A_72 = vector.load %arg16[%swap3A, %swap3A_71] : memref<1000x32xf32, #tpu.memory_space<vmem>>, vector<1000x32xf32>
    tpu.vector_store %arg16[%swap3A, %swap3A_71], %add3A_70 {strides = array<i32>} : memref<1000x32xf32, #tpu.memory_space<vmem>>, vector<1000x32xf32>,
    %get3A_73 = arith.constant 0 : index
    %get3A_74 = arith.constant 0 : index
    %get3A_75 = vector.load %arg14[%get3A_73, %get3A_74] : memref<32x1xf32, #tpu.memory_space<vmem>>, vector<32x1xf32>
    %dot_general3A_76 = arith.constant dense<0.000000e+00> : vector<1000x1xf32>
    %dot_general3A_77 = tpu.matmul %add3A_70, %get3A_75, %dot_general3A_76 {dimension_numbers = #tpu.dot_dimension_numbers<[1], [0], [0], [1], [0, 0, 1, 1], [], []>, transpose_lhs_hint = false} : vector<1000x32xf32>, vector<32x1xf32>, vector<1000x1xf32> -> vector<1000x1xf32>
    %get3A_78 = arith.constant 0 : index
    %get3A_79 = arith.constant 0 : index
    %get3A_80 = vector.load %arg15[%get3A_78, %get3A_79] : memref<1x1xf32, #tpu.memory_space<vmem>>, vector<1x1xf32>
    %add3A_81 = vector.broadcast %get3A_80 : vector<1x1xf32> to vector<1000x1xf32>
    %add3A_82 = arith.addf %dot_general3A_77, %add3A_81 : vector<1000x1xf32>
    %swap3A_83 = arith.constant 0 : index
    %swap3A_84 = arith.constant 0 : index
    %swap3A_85 = vector.load %arg17[%swap3A_83, %swap3A_84] : memref<1000x1xf32, #tpu.memory_space<vmem>>, vector<1000x1xf32>
    tpu.vector_store %arg17[%swap3A_83, %swap3A_84], %add3A_82 {strides = array<i32>} : memref<1000x1xf32, #tpu.memory_space<vmem>>, vector<1000x1xf32>,
    return
  }
  func.func @transform_0(%arg0: i32) -> (i32, i32) {
    %c0_i32 = arith.constant 0 : i32
    %c0_i32_0 = arith.constant 0 : i32
    return %arg0, %c0_i32 : i32, i32
  }
  func.func @transform_1(%arg0: i32) -> (i32, i32) {
    %c0_i32 = arith.constant 0 : i32
    %c0_i32_0 = arith.constant 0 : i32
    return %arg0, %c0_i32 : i32, i32
  }
  func.func @transform_2(%arg0: i32) -> (i32, i32) {
    %c0_i32 = arith.constant 0 : i32
    %c0_i32_0 = arith.constant 0 : i32
    return %arg0, %c0_i32 : i32, i32
  }
  func.func @transform_3(%arg0: i32) -> (i32, i32) {
    %c0_i32 = arith.constant 0 : i32
    %c0_i32_0 = arith.constant 0 : i32
    return %arg0, %c0_i32 : i32, i32
  }
  func.func @transform_4(%arg0: i32) -> (i32, i32) {
    %c0_i32 = arith.constant 0 : i32
    %c0_i32_0 = arith.constant 0 : i32
    return %arg0, %c0_i32 : i32, i32
  }
  func.func @transform_5(%arg0: i32) -> (i32, i32) {
    %c0_i32 = arith.constant 0 : i32
    %c0_i32_0 = arith.constant 0 : i32
    %c0_i32_1 = arith.constant 0 : i32
    return %c0_i32, %c0_i32_0 : i32, i32
  }
  func.func @transform_6(%arg0: i32) -> (i32, i32) {
    %c0_i32 = arith.constant 0 : i32
    %c0_i32_0 = arith.constant 0 : i32
    %c0_i32_1 = arith.constant 0 : i32
    return %c0_i32, %c0_i32_0 : i32, i32
  }
  func.func @transform_7(%arg0: i32) -> (i32, i32) {
    %c0_i32 = arith.constant 0 : i32
    %c0_i32_0 = arith.constant 0 : i32
    %c0_i32_1 = arith.constant 0 : i32
    return %c0_i32, %c0_i32_0 : i32, i32
  }
  func.func @transform_8(%arg0: i32) -> (i32, i32) {
    %c0_i32 = arith.constant 0 : i32
    %c0_i32_0 = arith.constant 0 : i32
    %c0_i32_1 = arith.constant 0 : i32
    return %c0_i32, %c0_i32_0 : i32, i32
  }
  func.func @transform_9(%arg0: i32) -> (i32, i32) {
    %c0_i32 = arith.constant 0 : i32
    %c0_i32_0 = arith.constant 0 : i32
    %c0_i32_1 = arith.constant 0 : i32
    return %c0_i32, %c0_i32_0 : i32, i32
  }
  func.func @transform_10(%arg0: i32) -> (i32, i32) {
    %c0_i32 = arith.constant 0 : i32
    %c0_i32_0 = arith.constant 0 : i32
    %c0_i32_1 = arith.constant 0 : i32
    return %c0_i32, %c0_i32_0 : i32, i32
  }
  func.func @transform_11(%arg0: i32) -> (i32, i32) {
    %c0_i32 = arith.constant 0 : i32
    %c0_i32_0 = arith.constant 0 : i32
    %c0_i32_1 = arith.constant 0 : i32
    return %c0_i32, %c0_i32_0 : i32, i32
  }
  func.func @transform_12(%arg0: i32) -> (i32, i32) {
    %c0_i32 = arith.constant 0 : i32
    %c0_i32_0 = arith.constant 0 : i32
    %c0_i32_1 = arith.constant 0 : i32
    return %c0_i32, %c0_i32_0 : i32, i32
  }
  func.func @transform_13(%arg0: i32) -> (i32, i32) {
    %c0_i32 = arith.constant 0 : i32
    %c0_i32_0 = arith.constant 0 : i32
    %c0_i32_1 = arith.constant 0 : i32
    return %c0_i32, %c0_i32_0 : i32, i32
  }
  func.func @transform_14(%arg0: i32) -> (i32, i32) {
    %c0_i32 = arith.constant 0 : i32
    %c0_i32_0 = arith.constant 0 : i32
    %c0_i32_1 = arith.constant 0 : i32
    return %c0_i32, %c0_i32_0 : i32, i32
  }
  func.func @transform_15(%arg0: i32) -> (i32, i32) {
    %c0_i32 = arith.constant 0 : i32
    %c0_i32_0 = arith.constant 0 : i32
    return %arg0, %c0_i32 : i32, i32
  }
  func.func @transform_16(%arg0: i32) -> (i32, i32) {
    %c0_i32 = arith.constant 0 : i32
    %c0_i32_0 = arith.constant 0 : i32
    return %arg0, %c0_i32 : i32, i32
  }
}

module attributes {stable_mosaic.version = 14 : i64} {
  func.func @_comb_body(%arg0: i32, %arg1: memref<1000x32xf32, #tpu.memory_space<vmem>>, %arg2: memref<1000x32xf32, #tpu.memory_space<vmem>>, %arg3: memref<1000x32xf32, #tpu.memory_space<vmem>>, %arg4: memref<1000x32xf32, #tpu.memory_space<vmem>>, %arg5: memref<1000x32xf32, #tpu.memory_space<vmem>>, %arg6: memref<32x64xf32, #tpu.memory_space<vmem>>, %arg7: memref<1x64xf32, #tpu.memory_space<vmem>>, %arg8: memref<64x128xf32, #tpu.memory_space<vmem>>, %arg9: memref<1x128xf32, #tpu.memory_space<vmem>>, %arg10: memref<128x1024xf32, #tpu.memory_space<vmem>>, %arg11: memref<1x1024xf32, #tpu.memory_space<vmem>>, %arg12: memref<32x1024xf32, #tpu.memory_space<vmem>>, %arg13: memref<1024x32xf32, #tpu.memory_space<vmem>>, %arg14: memref<32x1xf32, #tpu.memory_space<vmem>>, %arg15: memref<1x1xf32, #tpu.memory_space<vmem>>, %arg16: memref<1000x32xf32, #tpu.memory_space<vmem>>, %arg17: memref<1000x1xf32, #tpu.memory_space<vmem>>) attributes {dimension_semantics = [#tpu.dimension_semantics<arbitrary>], iteration_bounds = array<i64: 10>, scalar_prefetch = 0 : i64, scratch_operands = 0 : i64, tpu.core_type = #tpu.core_type<tc>, window_params = [{transform_indices = @transform_0, window_bounds = array<i64: 1000, 32>}, {transform_indices = @transform_1, window_bounds = array<i64: 1000, 32>}, {transform_indices = @transform_2, window_bounds = array<i64: 1000, 32>}, {transform_indices = @transform_3, window_bounds = array<i64: 1000, 32>}, {transform_indices = @transform_4, window_bounds = array<i64: 1000, 32>}, {pipeline_mode = #tpu.pipeline_mode<synchronous>, transform_indices = @transform_5, window_bounds = array<i64: 32, 64>}, {pipeline_mode = #tpu.pipeline_mode<synchronous>, transform_indices = @transform_6, window_bounds = array<i64: 1, 64>}, {pipeline_mode = #tpu.pipeline_mode<synchronous>, transform_indices = @transform_7, window_bounds = array<i64: 64, 128>}, {pipeline_mode = #tpu.pipeline_mode<synchronous>, transform_indices = @transform_8, window_bounds = array<i64: 1, 128>}, {pipeline_mode = #tpu.pipeline_mode<synchronous>, transform_indices = @transform_9, window_bounds = array<i64: 128, 1024>}, {pipeline_mode = #tpu.pipeline_mode<synchronous>, transform_indices = @transform_10, window_bounds = array<i64: 1, 1024>}, {pipeline_mode = #tpu.pipeline_mode<synchronous>, transform_indices = @transform_11, window_bounds = array<i64: 32, 1024>}, {pipeline_mode = #tpu.pipeline_mode<synchronous>, transform_indices = @transform_12, window_bounds = array<i64: 1024, 32>}, {pipeline_mode = #tpu.pipeline_mode<synchronous>, transform_indices = @transform_13, window_bounds = array<i64: 32, 1>}, {pipeline_mode = #tpu.pipeline_mode<synchronous>, transform_indices = @transform_14, window_bounds = array<i64: 1, 1>}, {transform_indices = @transform_15, window_bounds = array<i64: 1000, 32>}, {transform_indices = @transform_16, window_bounds = array<i64: 1000, 1>}]} {
    %get3A = arith.constant 0 : index
    %get3A_0 = arith.constant 0 : index
    %get3A_1 = vector.load %arg1[%get3A, %get3A_0] : memref<1000x32xf32, #tpu.memory_space<vmem>>, vector<1000x32xf32>
    %get3A_2 = arith.constant 0 : index
    %get3A_3 = arith.constant 0 : index
    %get3A_4 = vector.load %arg6[%get3A_2, %get3A_3] : memref<32x64xf32, #tpu.memory_space<vmem>>, vector<32x64xf32>
    %dot_general3A = arith.constant dense<0.000000e+00> : vector<1000x64xf32>
    %dot_general3A_5 = tpu.matmul %get3A_1, %get3A_4, %dot_general3A {dimension_numbers = #tpu.dot_dimension_numbers<[1], [0], [0], [1], [0, 0, 1, 1], [], []>, transpose_lhs_hint = false} : vector<1000x32xf32>, vector<32x64xf32>, vector<1000x64xf32> -> vector<1000x64xf32>
    %get3A_6 = arith.constant 0 : index
    %get3A_7 = arith.constant 0 : index
    %get3A_8 = vector.load %arg7[%get3A_6, %get3A_7] : memref<1x64xf32, #tpu.memory_space<vmem>>, vector<1x64xf32>
    %add3A = vector.broadcast %get3A_8 : vector<1x64xf32> to vector<1000x64xf32>
    %add3A_9 = arith.addf %dot_general3A_5, %add3A : vector<1000x64xf32>
    %max3A = arith.constant 0.000000e+00 : f32
    %max3A_10 = vector.broadcast %max3A : f32 to vector<1000x64xf32>
    %max3A_11 = arith.maximumf %add3A_9, %max3A_10 : vector<1000x64xf32>
    %get3A_12 = arith.constant 0 : index
    %get3A_13 = arith.constant 0 : index
    %get3A_14 = vector.load %arg8[%get3A_12, %get3A_13] : memref<64x128xf32, #tpu.memory_space<vmem>>, vector<64x128xf32>
    %dot_general3A_15 = arith.constant dense<0.000000e+00> : vector<1000x128xf32>
    %dot_general3A_16 = tpu.matmul %max3A_11, %get3A_14, %dot_general3A_15 {dimension_numbers = #tpu.dot_dimension_numbers<[1], [0], [0], [1], [0, 0, 1, 1], [], []>, transpose_lhs_hint = false} : vector<1000x64xf32>, vector<64x128xf32>, vector<1000x128xf32> -> vector<1000x128xf32>
    %get3A_17 = arith.constant 0 : index
    %get3A_18 = arith.constant 0 : index
    %get3A_19 = vector.load %arg9[%get3A_17, %get3A_18] : memref<1x128xf32, #tpu.memory_space<vmem>>, vector<1x128xf32>
    %add3A_20 = vector.broadcast %get3A_19 : vector<1x128xf32> to vector<1000x128xf32>
    %add3A_21 = arith.addf %dot_general3A_16, %add3A_20 : vector<1000x128xf32>
    %max3A_22 = arith.constant 0.000000e+00 : f32
    %max3A_23 = vector.broadcast %max3A_22 : f32 to vector<1000x128xf32>
    %max3A_24 = arith.maximumf %add3A_21, %max3A_23 : vector<1000x128xf32>
    %get3A_25 = arith.constant 0 : index
    %get3A_26 = arith.constant 0 : index
    %get3A_27 = vector.load %arg10[%get3A_25, %get3A_26] : memref<128x1024xf32, #tpu.memory_space<vmem>>, vector<128x1024xf32>
    %dot_general3A_28 = arith.constant dense<0.000000e+00> : vector<1000x1024xf32>
    %dot_general3A_29 = tpu.matmul %max3A_24, %get3A_27, %dot_general3A_28 {dimension_numbers = #tpu.dot_dimension_numbers<[1], [0], [0], [1], [0, 0, 1, 1], [], []>, transpose_lhs_hint = false} : vector<1000x128xf32>, vector<128x1024xf32>, vector<1000x1024xf32> -> vector<1000x1024xf32>
    %get3A_30 = arith.constant 0 : index
    %get3A_31 = arith.constant 0 : index
    %get3A_32 = vector.load %arg11[%get3A_30, %get3A_31] : memref<1x1024xf32, #tpu.memory_space<vmem>>, vector<1x1024xf32>
    %add3A_33 = vector.broadcast %get3A_32 : vector<1x1024xf32> to vector<1000x1024xf32>
    %add3A_34 = arith.addf %dot_general3A_29, %add3A_33 : vector<1000x1024xf32>
    %get3A_35 = arith.constant 0 : index
    %get3A_36 = arith.constant 0 : index
    %get3A_37 = vector.load %arg12[%get3A_35, %get3A_36] : memref<32x1024xf32, #tpu.memory_space<vmem>>, vector<32x1024xf32>
    %dot_general3A_38 = arith.constant dense<0.000000e+00> : vector<1000x1024xf32>
    %dot_general3A_39 = tpu.matmul %get3A_1, %get3A_37, %dot_general3A_38 {dimension_numbers = #tpu.dot_dimension_numbers<[1], [0], [0], [1], [0, 0, 1, 1], [], []>, transpose_lhs_hint = false} : vector<1000x32xf32>, vector<32x1024xf32>, vector<1000x1024xf32> -> vector<1000x1024xf32>
    %mul3A = arith.mulf %dot_general3A_39, %add3A_34 : vector<1000x1024xf32>
    %get3A_40 = arith.constant 0 : index
    %get3A_41 = arith.constant 0 : index
    %get3A_42 = vector.load %arg13[%get3A_40, %get3A_41] : memref<1024x32xf32, #tpu.memory_space<vmem>>, vector<1024x32xf32>
    %dot_general3A_43 = arith.constant dense<0.000000e+00> : vector<1000x32xf32>
    %dot_general3A_44 = tpu.matmul %mul3A, %get3A_42, %dot_general3A_43 {dimension_numbers = #tpu.dot_dimension_numbers<[1], [0], [0], [1], [0, 0, 1, 1], [], []>, transpose_lhs_hint = false} : vector<1000x1024xf32>, vector<1024x32xf32>, vector<1000x32xf32> -> vector<1000x32xf32>
    %get3A_45 = arith.constant 0 : index
    %get3A_46 = arith.constant 0 : index
    %get3A_47 = vector.load %arg4[%get3A_45, %get3A_46] : memref<1000x32xf32, #tpu.memory_space<vmem>>, vector<1000x32xf32>
    %get3A_48 = arith.constant 0 : index
    %get3A_49 = arith.constant 0 : index
    %get3A_50 = vector.load %arg5[%get3A_48, %get3A_49] : memref<1000x32xf32, #tpu.memory_space<vmem>>, vector<1000x32xf32>
    %add3A_51 = arith.addf %get3A_47, %get3A_50 : vector<1000x32xf32>
    %max3A_52 = arith.constant 1.000000e+00 : f32
    %max3A_53 = vector.broadcast %max3A_52 : f32 to vector<1000x32xf32>
    %max3A_54 = arith.maximumf %add3A_51, %max3A_53 : vector<1000x32xf32>
    %slice3A = vector.extract_strided_slice %max3A_54 {offsets = [0, 0], sizes = [1000, 1], strides = [1, 1]} : vector<1000x32xf32> to vector<1000x1xf32>
    %get3A_55 = arith.constant 0 : index
    %get3A_56 = arith.constant 0 : index
    %get3A_57 = vector.load %arg2[%get3A_55, %get3A_56] : memref<1000x32xf32, #tpu.memory_space<vmem>>, vector<1000x32xf32>
    %get3A_58 = arith.constant 0 : index
    %get3A_59 = arith.constant 0 : index
    %get3A_60 = vector.load %arg3[%get3A_58, %get3A_59] : memref<1000x32xf32, #tpu.memory_space<vmem>>, vector<1000x32xf32>
    %add3A_61 = arith.addf %get3A_57, %get3A_60 : vector<1000x32xf32>
    %div3A = vector.broadcast %slice3A : vector<1000x1xf32> to vector<1000x32xf32>
    %div3A_62 = arith.divf %add3A_61, %div3A : vector<1000x32xf32>
    %mul3A_63 = arith.constant 5.000000e-01 : f32
    %mul3A_64 = vector.broadcast %mul3A_63 : f32 to vector<1000x32xf32>
    %mul3A_65 = arith.mulf %mul3A_64, %div3A_62 : vector<1000x32xf32>
    %sub3A = arith.subf %dot_general3A_44, %get3A_1 : vector<1000x32xf32>
    %mul3A_66 = arith.constant 5.000000e-01 : f32
    %mul3A_67 = vector.broadcast %mul3A_66 : f32 to vector<1000x32xf32>
    %mul3A_68 = arith.mulf %mul3A_67, %sub3A : vector<1000x32xf32>
    %add3A_69 = arith.addf %mul3A_65, %mul3A_68 : vector<1000x32xf32>
    %add3A_70 = arith.addf %add3A_69, %get3A_1 : vector<1000x32xf32>
    %swap3A = arith.constant 0 : index
    %swap3A_71 = arith.constant 0 : index
    %swap3A_72 = vector.load %arg16[%swap3A, %swap3A_71] : memref<1000x32xf32, #tpu.memory_space<vmem>>, vector<1000x32xf32>
    tpu.vector_store %arg16[%swap3A, %swap3A_71], %add3A_70 {strides = array<i32>} : memref<1000x32xf32, #tpu.memory_space<vmem>>, vector<1000x32xf32>,
    %get3A_73 = arith.constant 0 : index
    %get3A_74 = arith.constant 0 : index
    %get3A_75 = vector.load %arg14[%get3A_73, %get3A_74] : memref<32x1xf32, #tpu.memory_space<vmem>>, vector<32x1xf32>
    %dot_general3A_76 = arith.constant dense<0.000000e+00> : vector<1000x1xf32>
    %dot_general3A_77 = tpu.matmul %add3A_70, %get3A_75, %dot_general3A_76 {dimension_numbers = #tpu.dot_dimension_numbers<[1], [0], [0], [1], [0, 0, 1, 1], [], []>, transpose_lhs_hint = false} : vector<1000x32xf32>, vector<32x1xf32>, vector<1000x1xf32> -> vector<1000x1xf32>
    %get3A_78 = arith.constant 0 : index
    %get3A_79 = arith.constant 0 : index
    %get3A_80 = vector.load %arg15[%get3A_78, %get3A_79] : memref<1x1xf32, #tpu.memory_space<vmem>>, vector<1x1xf32>
    %add3A_81 = vector.broadcast %get3A_80 : vector<1x1xf32> to vector<1000x1xf32>
    %add3A_82 = arith.addf %dot_general3A_77, %add3A_81 : vector<1000x1xf32>
    %swap3A_83 = arith.constant 0 : index
    %swap3A_84 = arith.constant 0 : index
    %swap3A_85 = vector.load %arg17[%swap3A_83, %swap3A_84] : memref<1000x1xf32, #tpu.memory_space<vmem>>, vector<1000x1xf32>
    tpu.vector_store %arg17[%swap3A_83, %swap3A_84], %add3A_82 {strides = array<i32>} : memref<1000x1xf32, #tpu.memory_space<vmem>>, vector<1000x1xf32>,
    return
  }
  func.func @transform_0(%arg0: i32) -> (i32, i32) {
    %c0_i32 = arith.constant 0 : i32
    %c0_i32_0 = arith.constant 0 : i32
    return %arg0, %c0_i32 : i32, i32
  }
  func.func @transform_1(%arg0: i32) -> (i32, i32) {
    %c0_i32 = arith.constant 0 : i32
    %c0_i32_0 = arith.constant 0 : i32
    return %arg0, %c0_i32 : i32, i32
  }
  func.func @transform_2(%arg0: i32) -> (i32, i32) {
    %c0_i32 = arith.constant 0 : i32
    %c0_i32_0 = arith.constant 0 : i32
    return %arg0, %c0_i32 : i32, i32
  }
  func.func @transform_3(%arg0: i32) -> (i32, i32) {
    %c0_i32 = arith.constant 0 : i32
    %c0_i32_0 = arith.constant 0 : i32
    return %arg0, %c0_i32 : i32, i32
  }
  func.func @transform_4(%arg0: i32) -> (i32, i32) {
    %c0_i32 = arith.constant 0 : i32
    %c0_i32_0 = arith.constant 0 : i32
    return %arg0, %c0_i32 : i32, i32
  }
  func.func @transform_5(%arg0: i32) -> (i32, i32) {
    %c0_i32 = arith.constant 0 : i32
    %c0_i32_0 = arith.constant 0 : i32
    %c0_i32_1 = arith.constant 0 : i32
    return %c0_i32, %c0_i32_0 : i32, i32
  }
  func.func @transform_6(%arg0: i32) -> (i32, i32) {
    %c0_i32 = arith.constant 0 : i32
    %c0_i32_0 = arith.constant 0 : i32
    %c0_i32_1 = arith.constant 0 : i32
    return %c0_i32, %c0_i32_0 : i32, i32
  }
  func.func @transform_7(%arg0: i32) -> (i32, i32) {
    %c0_i32 = arith.constant 0 : i32
    %c0_i32_0 = arith.constant 0 : i32
    %c0_i32_1 = arith.constant 0 : i32
    return %c0_i32, %c0_i32_0 : i32, i32
  }
  func.func @transform_8(%arg0: i32) -> (i32, i32) {
    %c0_i32 = arith.constant 0 : i32
    %c0_i32_0 = arith.constant 0 : i32
    %c0_i32_1 = arith.constant 0 : i32
    return %c0_i32, %c0_i32_0 : i32, i32
  }
  func.func @transform_9(%arg0: i32) -> (i32, i32) {
    %c0_i32 = arith.constant 0 : i32
    %c0_i32_0 = arith.constant 0 : i32
    %c0_i32_1 = arith.constant 0 : i32
    return %c0_i32, %c0_i32_0 : i32, i32
  }
  func.func @transform_10(%arg0: i32) -> (i32, i32) {
    %c0_i32 = arith.constant 0 : i32
    %c0_i32_0 = arith.constant 0 : i32
    %c0_i32_1 = arith.constant 0 : i32
    return %c0_i32, %c0_i32_0 : i32, i32
  }
  func.func @transform_11(%arg0: i32) -> (i32, i32) {
    %c0_i32 = arith.constant 0 : i32
    %c0_i32_0 = arith.constant 0 : i32
    %c0_i32_1 = arith.constant 0 : i32
    return %c0_i32, %c0_i32_0 : i32, i32
  }
  func.func @transform_12(%arg0: i32) -> (i32, i32) {
    %c0_i32 = arith.constant 0 : i32
    %c0_i32_0 = arith.constant 0 : i32
    %c0_i32_1 = arith.constant 0 : i32
    return %c0_i32, %c0_i32_0 : i32, i32
  }
  func.func @transform_13(%arg0: i32) -> (i32, i32) {
    %c0_i32 = arith.constant 0 : i32
    %c0_i32_0 = arith.constant 0 : i32
    %c0_i32_1 = arith.constant 0 : i32
    return %c0_i32, %c0_i32_0 : i32, i32
  }
  func.func @transform_14(%arg0: i32) -> (i32, i32) {
    %c0_i32 = arith.constant 0 : i32
    %c0_i32_0 = arith.constant 0 : i32
    %c0_i32_1 = arith.constant 0 : i32
    return %c0_i32, %c0_i32_0 : i32, i32
  }
  func.func @transform_15(%arg0: i32) -> (i32, i32) {
    %c0_i32 = arith.constant 0 : i32
    %c0_i32_0 = arith.constant 0 : i32
    return %arg0, %c0_i32 : i32, i32
  }
  func.func @transform_16(%arg0: i32) -> (i32, i32) {
    %c0_i32 = arith.constant 0 : i32
    %c0_i32_0 = arith.constant 0 : i32
    return %arg0, %c0_i32 : i32, i32
  }
}

</mosaic_0001>

<sc_bundles>
// kernel: kernel.11.cloned.1.call-start
scs
__scs_entry_jumppad:
0x0: {  	(pc) =	sbr.rel $0x88, $3  }
0x1: {  	(tag) =	ssettag $0x0;
	lr =	simm.s32 $0x1  }
0x2: {  	[smem:$0x3F8E] =	sst lr;
	_ =	strace $0xD0000000  }
0x3: {  	_ = 	snop  }
0x4: {  	_ = 	snop  }
0x5: {  	_ = 	snop  }
0x6: {  	_ = 	snop  }
0x7: {  	_ = 	snop  }
__scs_overlays_trampoline_lowered:
0x8: {  	[smem:$0x3F9D] =	sst s0  }
0x9: {  	[smem:$0x3F9E] =	sst s1  }
0xa: {  	[smem:$0x3F9F] =	sst s2  }
0xb: {  	[smem:$0x3FA0] =	sst s3  }
0xc: {  	[smem:$0x3FA1] =	sst s4  }
0xd: {  	[smem:$0x3FA2] =	sst s5  }
0xe: {  	[smem:$0x3FA3] =	sst s6  }
0xf: {  	[smem:$0x3FA4] =	sst s7  }
0x10: {  	[smem:$0x3FA5] =	sst s8  }
0x11: {  	[smem:$0x3FA6] =	sst s9;
	s0 =	simm.s32 @!p0 $0x0  }
0x12: {  	s1 =	sld [smem:$0x3F8C];
	s0 =	simm.s32 @p0 $0x1  }
0x13: {  	[smem:$0x3FA7] =	sst s0;
	s0 =	simm.s32 @!p1 $0x0  }
0x14: {  	s2 =	sld [smem:$0x3F8B];
	s0 =	simm.s32 @p1 $0x1  }
0x15: {  	[smem:$0x3FA8] =	sst s0;
	s0 =	simm.s32 @!p2 $0x0  }
0x16: {  	s3 =	sld [smem:$0x3FDB];
	s0 =	simm.s32 @p2 $0x1  }
0x17: {  	s4 =	simm.s32 $0x1BF5;
	[smem:$0x3FAA] =	sst s0  }
0x18: {  	s0 =	sld [smem:$0x3F8D];
	_ =	swait.ge [sflag:s4], $0x0  }
0x19: {  	s7 =	sld [smem:$0x3F8E]  }
0x1a: {  	s8 =	sadd.s32 $0xFFFFE003, lr  }
0x1b: {  	s9 =	sadd.s32 $0xFFFFFEF7, lr;
	s5 =	simm.s32 $0xFFFFFFFF;
	p2 =	slt.u32 s8, $0xFFFFF086  }
0x1c: {  	p1 =	slt.u32 s9, $0xF7A;
	s5 =	simm.s32 @!p2 $0x0  }
0x1d: {  	s5 =	simm.s32 @p1 $0x1;
	p0 =	seq.s32 s7, s2  }
0x1e: {  	s7 =	smul.u32 @!p0 $0xF7A, s2;
	p2 =	seq.s32 @!p0 s5, $0x0  }
0x1f: {  	s9 =	smul.u32 $0xF7A, s1;
	s8 =	simm.s32 @!p0 $0x1BF5;
	p2 =	por !p2, p0  }
0x20: {  	[sflag:s8] =	ssyncset.s32 @!p0 $0xFFFFF086;
	s6 =	sadd.s32 @!p0 s3, s7;
	s7 =	simm.s32 @!p0 $0x108  }
0x21: {  	s3 =	sadd.s32 s3, s9;
	s6 =	sadd.s32 @!p0 $0x88, s6;
	s7 =	simm.s32 @p2 $0x1082  }
0x22: {  	[simem:s7], [sflag:s8] =	dma.local @!p0 [hbm:s6], $0xF7A  }
0x23: {  	s9 =	sor.u32 $0xD0000000, s2;
	s6 =	simm.s32 $0x108;
	_ =	swait.ge @!p0 [sflag:s8], $0x0  }
0x24: {  	s3 =	sadd.s32 $0x88, s3;
	s6 =	simm.s32 @!p1 $0x1082;
	[sflag:s4] =	ssyncset.s32 $0xFFFFF086  }
0x25: {  	[simem:s6], [sflag:s4] =	dma.local [hbm:s3], $0xF7A  }
0x26: {  	[smem:$0x3F8E] =	sst s1;
	(tag) =	ssettag s2;
	_ =	strace s9  }
0x27: {  	s1 =	sld [smem:$0x3F9E]  }
0x28: {  	s2 =	sld [smem:$0x3F9F]  }
0x29: {  	s4 =	sld [smem:$0x3FA1]  }
0x2a: {  	p0 =	seq.s32 s5, $0x0;
	s5 =	sld [smem:$0x3FA2]  }
0x2b: {  	s6 =	sld [smem:$0x3FA3]  }
0x2c: {  	s7 =	sld [smem:$0x3FA4]  }
0x2d: {  	s3 =	simm.s32 $0x108;
	s8 =	sld [smem:$0x3FA5]  }
0x2e: {  	s3 =	simm.s32 @!p0 $0x1082;
	s9 =	sld [smem:$0x3FA6]  }
0x2f: {  	lr =	sadd.s32 s0, s3;
	s0 =	sld [smem:$0x3F9D]  }
0x30: {  	s3 =	sld [smem:$0x3FA0]  }
0x31: {  	[smem:$0x3FA9] =	sst s10  }
0x32: {  	s10 =	sld [smem:$0x3FA7];
	_ =	sdelay $0x3  }
0x33: {  	p0 =	seq.s32 s10, $0x1;
	s10 =	sld [smem:$0x3FA9];
	_ =	sdelay $0x3  }
0x34: {  	[smem:$0x3FA9] =	sst s10  }
0x35: {  	s10 =	sld [smem:$0x3FA8];
	_ =	sdelay $0x3  }
0x36: {  	p1 =	seq.s32 s10, $0x1;
	s10 =	sld [smem:$0x3FA9];
	_ =	sdelay $0x3  }
0x37: {  	[smem:$0x3FA9] =	sst s10  }
0x38: {  	s10 =	sld [smem:$0x3FAA]  }
0x39: {  	_ = 	snop;
	(pc) =	sbr.ind lr, $3  }
0x3a: {  	_ = 	snop  }
0x3b: {  	_ = 	snop  }
0x3c: {  	p2 =	seq.s32 s10, $0x1;
	s10 =	sld [smem:$0x3FA9]  }
0x3d: {  	_ =	shalt  }
0x3e: {  	_ =	shalt  }
0x3f: {  	_ =	shalt  }
0x40: {  	_ =	shalt  }
0x41: {  	_ =	shalt  }
0x42: {  	_ =	shalt  }
0x43: {  	_ =	shalt  }
0x44: {  	_ =	shalt  }
0x45: {  	_ =	shalt  }
0x46: {  	_ =	shalt  }
0x47: {  	_ =	shalt  }
0x48: {  	_ =	shalt  }
0x49: {  	_ =	shalt  }
0x4a: {  	_ =	shalt  }
0x4b: {  	_ =	shalt  }
0x4c: {  	_ =	shalt  }
0x4d: {  	_ =	shalt  }
0x4e: {  	_ =	shalt  }
0x4f: {  	_ =	shalt  }
0x50: {  	_ =	shalt  }
0x51: {  	_ =	shalt  }
0x52: {  	_ =	shalt  }
0x53: {  	_ =	shalt  }
0x54: {  	_ =	shalt  }
0x55: {  	_ =	shalt  }
0x56: {  	_ =	shalt  }
0x57: {  	_ =	shalt  }
0x58: {  	_ =	shalt  }
0x59: {  	_ =	shalt  }
0x5a: {  	_ =	shalt  }
0x5b: {  	_ =	shalt  }
0x5c: {  	_ =	shalt  }
0x5d: {  	_ =	shalt  }
0x5e: {  	_ =	shalt  }
0x5f: {  	_ =	shalt  }
0x60: {  	_ =	shalt  }
0x61: {  	_ =	shalt  }
0x62: {  	_ =	shalt  }
0x63: {  	_ =	shalt  }
0x64: {  	_ =	shalt  }
0x65: {  	_ =	shalt  }
0x66: {  	_ =	shalt  }
0x67: {  	_ =	shalt  }
0x68: {  	_ =	shalt  }
0x69: {  	_ =	shalt  }
0x6a: {  	_ =	shalt  }
0x6b: {  	_ =	shalt  }
0x6c: {  	_ =	shalt  }
0x6d: {  	_ =	shalt  }
0x6e: {  	_ =	shalt  }
0x6f: {  	_ =	shalt  }
0x70: {  	_ =	shalt  }
0x71: {  	_ =	shalt  }
0x72: {  	_ =	shalt  }
0x73: {  	_ =	shalt  }
0x74: {  	_ =	shalt  }
0x75: {  	_ =	shalt  }
0x76: {  	_ =	shalt  }
0x77: {  	_ =	shalt  }
0x78: {  	_ =	shalt  }
0x79: {  	_ =	shalt  }
0x7a: {  	_ =	shalt  }
0x7b: {  	_ =	shalt  }
0x7c: {  	_ =	shalt  }
0x7d: {  	_ =	shalt  }
0x7e: {  	_ =	shalt  }
0x7f: {  	_ =	shalt  }
0x80: {  	_ =	shalt  }
0x81: {  	_ =	shalt  }
0x82: {  	_ =	shalt  }
0x83: {  	_ =	shalt  }
0x84: {  	_ =	shalt  }
0x85: {  	_ =	shalt  }
0x86: {  	_ =	shalt  }
0x87: {  	_ =	shalt  }
.Lfunc_end0:
.L_simem_size_0:
called_computation_lowered:
.L_overlay_start_0:
0x88: {  	s2 =	sld [smem:$0x3FD9]  }
0x89: {  	s3 =	sld [smem:$0x3FFE];
	_ =	sdelay $0x1  }
0x8a: {  	s1 =	srdreg.scid  }
0x8b: {  	s0 =	sand.u32 $0x1, s1  }
0x8c: {  	s16 =	sshll.u32 s0, $0xA;
	s2 =	sadd.s32 s3, s2  }
0x8d: {  	s2 =	sadd.s32 s2, s16  }
0x8e: {  	[smem:$0x3FB5] =	sst s2  }
0x8f: {  	_ = 	snop  }
0x90: {  	(tm) =	ssettm $0x1  }
0x91: {  	s17 =	sld [smem:$0x3FFB];
	_ =	sdelay $0x3  }
0x92: {  	_ =	strace s17  }
0x93: {  	s2 =	sld [smem:$0x3FFC];
	_ =	sdelay $0x3  }
0x94: {  	_ =	strace s2  }
0x95: {  	s2 =	sld [smem:$0x3FFD];
	_ =	sdelay $0x3  }
0x96: {  	_ =	strace s2  }
0x97: {  	_ =	strace $0x8FFFFFFF  }
0x98: {  	s18 =	sld [smem:$0x3FDB];
	_ =	sdelay $0x1  }
0x99: {  	s19 =	simm.s32 $_scs_section_size  }
0x9a: {  	s4 =	simm.s32 $_size__tile_overlayer_lowered;
	s5 =	simm.s32 $_tile_overlayer_lowered  }
0x9b: {  	s22 =	simm.s32 $0x1BFF;
	s21 =	sshll.u32 s5, $0x1;
	s2 =	sadd.s32 s19, s18  }
0x9c: {  	s6 =	simm.s32 $0x0;
	s20 =	sshll.u32 s4, $0x1;
	s4 =	sadd.s32 s21, s2  }
0x9d: {  	[timem:s6], [sflag:s22] =	dma.local [hbm:s4], s20  }
0x9e: {  	_ =	swait.ge [sflag:s22], s20  }
0x9f: {  	s3 =	ssub.s32 $0x0, s20;
	[sflag:s22] =	ssyncset.done $0x0  }
0xa0: {  	[sflag:s22] =	ssyncadd.s32 s3;
	_ =	sdelay $0x1  }
0xa1: {  	s23 =	simm.s32 $0x1B8B  }
0xa2: {  	_ =	swait.ge [sflag:s23], $0x1  }
0xa3: {  	[sflag:s23] =	ssyncset.done $0x0  }
0xa4: {  	s25 =	simm.s32 $0x1B8E;
	s24 =	sld [smem:$0x3FFE];
	[sflag:s23] =	ssyncadd.s32 $0xFFFFFFFF  }
0xa5: {  	s26 =	simm.s32 $execute0_lowered;
	[smem:$0x3FD2] =	sst s25  }
0xa6: {  	s4 =	sshll.u32 s26, $0x1;
	_ =	strace $0x80000046;
	[dreg:$0x1] =	wrdreg $0xFFFFFFFF  }
0xa7: {  	s28 =	simm.s32 $_size_execute0_lowered;
	s2 =	sadd.s32 s2, s4;
	[dreg:$0x0] =	wrdreg $0x0  }
0xa8: {  	s4 =	sshll.u32 s28, $0x1;
	[dreg:$0x2] =	wrdreg s2  }
0xa9: {  	[dreg:$0x3] =	wrdreg s4  }
0xaa: {  	[dreg:$0x4] =	wrdreg $0xC0  }
0xab: {  	_ =	task [dreg:s6], $0x5FFFF  }
0xac: {  	[dreg:$0x1] =	wrdreg $0xFFFFFFFF  }
0xad: {  	[dreg:$0x0] =	wrdreg $0x60  }
0xae: {  	[dreg:$0x2] =	wrdreg s24  }
0xaf: {  	[dreg:$0x3] =	wrdreg $0x9  }
0xb0: {  	_ =	task.clear_ibuf [dreg:s6], $0x4FFFF;
	_ =	strace $0x90000046  }
0xb1: {  	s29 =	simm.s32 $0x9;
	_ =	strace $0x80000048  }
0xb2: {  	_ =	swait.ge [sflag:s29], $0x1  }
0xb3: {  	[sflag:s29] =	ssyncadd.s32 $0xFFFFFFFF  }
0xb4: {  	_ =	strace $0x90000048  }
0xb5: {  	_ =	sfence  }
0xb6: {  	s30 =	sld [smem:$0x0];
	_ =	sdelay $0x2  }
0xb7: {  	s31 =	sshll.u32 s1, $0xD;
	s1 =	sshrl.u32 s1, $0x2  }
0xb8: {  	s3 =	sand.u32 $0x4000, s31;
	s1 =	sadd.s32 s1, s30  }
0xb9: {  	s0 =	sor.u32 s3, s0;
	s1 =	sshll.u32 s1, $0x11  }
0xba: {  	s0 =	sor.u32 s1, s0  }
0xbb: {  	s0 =	sadd.s32 $0x8F2B, s0  }
0xbc: {  	[sflag:s0] =	ssyncadd.remote.s32 $0x1  }
0xbd: {  	_ =	sfence.sel $0xFFFF  }
0xbe: {  	[dreg:$0x0] =	wrdreg $0xFFFFFFFF;
	(pc) =	sbr.abs _section_cstart, $3  }
0xbf: {  	[dreg:$0x1] =	wrdreg $0xFFFFFFFF  }
0xc0: {  	_ =	task.clear_ibuf [dreg:s6], $0x2FFFF;
	_ =	strace $0x9FFFFFFF  }
0xc1: {  	(tm) =	ssettm $0x7FFFFFFF  }
tec
execute0_lowered:
.L_overlay_start_1:
0x0: {  	(tag) =	ssettag $0x1  }
0x1: {  	s3 =	rddreg [dreg:$0x0];
	s2 =	srdreg.scid  }
0x2: {  	s0 =	rddreg [dreg:$0x1];
	s1 =	simm.s32 $0x0;
	s4 =	sand.u32 $0x1, s2  }
0x3: {  	[smem:$0x7FF] =	sst s1;
	s2 =	sshll.u32 s4, $0x8  }
0x4: {  	_ =	strace $0x80000047;
	s6 =	ssub.s32 $0x2, s4;
	s7 =	sshll.u32 s4, $0xD  }
0x5: {  	s9 =	sshll.u32 s4, $0x4;
	s5 =	sadd.s32 s2, s3;
	s2 =	stileid.u32  }
0x6: {  	s8 =	sshrl.u32 s6, $0x1;
	s7 =	sadd.s32 s7, s3;
	s3 =	sadd.s32 $0x37600, s3  }
0x7: {  	s6 =	ssub.s32 s6, s8;
	s29 =	sshll.u32 s2, $0x4;
	s30 =	sshll.u32 s2, $0x9  }
0x8: {  	s5 =	sadd.s32 s29, s5;
	s4 =	smax.u32 s6, $0x1;
	s31 =	sadd.s32 s30, s7  }
0x9: {  	s7 =	sor.u32 s9, s2;
	s5 =	sadd.s32 $0x6400, s5;
	s6 =	sadd.s32 $0x41400, s31  }
.LBB2_1:
0xa: {  	s8 =	sadd.s32 $0x0, s7  }
0xb: {  	p0 =	sgt.u32 s8, $0x4E1  }
0xc: {  	s8 =	simm.s32 @!p0 $0x0;
	s9 =	simm.s32 @!p0 $0x3  }
0xd: {  	[tilespmem:s8], [sflag:$0x3] =	stream.linear.gather @!p0 [hbm4b:s5+s8], $0x80, $0x38;
	[tilespmem:$0x1080] =	vst v63  }
0xe: {  	_ =	swait.ge @!p0 [sflag:s9], $0x80  }
0xf: {  	[sflag:s9] =	ssyncset.done @!p0 $0x0;
	p0 =	por p0, p0  }
0x10: {  	[sflag:s9] =	ssyncadd.s32 @!p0 $0xFFFFFF80;
	s10 =	simm.s32 @!p0 $0x80;
	s11 =	simm.s32 @!p0 $0x1  }
0x11: {  	[tilespmem:s10], [sflag:$0x1] =	stream.indirect.gather @!p0 [hbm4b:s3+s10], $0x20, s8, s10, $0xb8;
	[tilespmem:$0x1080] =	vst v63  }
0x12: {  	_ =	swait.ge @!p0 [sflag:s11], $0x1000  }
0x13: {  	[sflag:s11] =	ssyncset.done @!p0 $0x0  }
0x14: {  	s31 =	sadd.s32 $0x20, s7;
	[sflag:s11] =	ssyncadd.s32 @!p0 $0xFFFFF000;
	s11 =	simm.s32 @!p0 $0x2  }
0x15: {  	[hbm4b:s6+s8] =	stream.linear.scatter @!p0 [tilespmem:s10], [sflag:$0x2], $0x1000, $0x38;
	[tilespmem:$0x1080] =	vst v63  }
0x16: {  	p1 =	sgt.u32 s31, $0x4E1;
	s9 =	simm.s32 $0x40;
	_ =	swait.ge @!p0 [sflag:s11], $0x1000  }
0x17: {  	s8 =	sadd.s32 $0x4000, s6;
	s10 =	sadd.s32 $0x200, s5;
	[sflag:s11] =	ssyncset.done @!p0 $0x0  }
.LBB2_2:
0x18: {  	s12 =	simm.s32 @!p1 $0x0;
	s13 =	simm.s32 @!p1 $0x3;
	[sflag:s11] =	ssyncadd.s32 @!p0 $0xFFFFF000  }
0x19: {  	[tilespmem:s12], [sflag:$0x3] =	stream.linear.gather @!p1 [hbm4b:s10+s12], $0x80, $0x38;
	[tilespmem:$0x1080] =	vst v63  }
0x1a: {  	s14 =	smov.u32 s9;
	s9 =	sadd.s32 $0x20, s9;
	_ =	swait.ge @!p1 [sflag:s13], $0x80  }
0x1b: {  	p0 =	por p1, p1;
	p2 =	sne.s32 s9, $0x500;
	[sflag:s13] =	ssyncset.done @!p1 $0x0  }
0x1c: {  	s11 =	simm.s32 @!p0 $0x1;
	[sflag:s13] =	ssyncadd.s32 @!p0 $0xFFFFFF80;
	s13 =	simm.s32 @!p0 $0x80  }
0x1d: {  	[tilespmem:s13], [sflag:$0x1] =	stream.indirect.gather @!p0 [hbm4b:s3+s13], $0x20, s12, s13, $0xb8;
	[tilespmem:$0x1080] =	vst v63  }
0x1e: {  	_ =	swait.ge @!p0 [sflag:s11], $0x1000  }
.Ltmp0:
0x1f: {  	[sflag:s11] =	ssyncset.done @!p0 $0x0;
	(pc) =	sbr.rel @p2 .LBB2_2-.Ltmp0, $4  }
0x20: {  	[sflag:s11] =	ssyncadd.s32 @!p0 $0xFFFFF000;
	s11 =	simm.s32 @!p0 $0x2  }
0x21: {  	[hbm4b:s8+s12] =	stream.linear.scatter @!p0 [tilespmem:s13], [sflag:$0x2], $0x1000, $0x38;
	[tilespmem:$0x1080] =	vst v63  }
0x22: {  	s12 =	sadd.s32 s14, s7;
	s8 =	sadd.s32 $0x4000, s8;
	_ =	swait.ge @!p0 [sflag:s11], $0x1000  }
0x23: {  	s10 =	sadd.s32 $0x200, s10;
	p1 =	sgt.u32 s12, $0x4E1;
	[sflag:s11] =	ssyncset.done @!p0 $0x0  }
0x24: {  	s9 =	simm.s32 @!p1 $0x0;
	s12 =	simm.s32 @!p1 $0x3;
	[sflag:s11] =	ssyncadd.s32 @!p0 $0xFFFFF000  }
0x25: {  	[tilespmem:s9], [sflag:$0x3] =	stream.linear.gather @!p1 [hbm4b:s10+s9], $0x80, $0x38;
	[tilespmem:$0x1080] =	vst v63  }
0x26: {  	_ =	swait.ge @!p1 [sflag:s12], $0x80  }
0x27: {  	p0 =	por p1, p1;
	[sflag:s12] =	ssyncset.done @!p1 $0x0  }
0x28: {  	s10 =	simm.s32 @!p0 $0x80;
	s11 =	simm.s32 @!p0 $0x1;
	[sflag:s12] =	ssyncadd.s32 @!p0 $0xFFFFFF80  }
0x29: {  	[tilespmem:s10], [sflag:$0x1] =	stream.indirect.gather @!p0 [hbm4b:s3+s10], $0x20, s9, s10, $0xb8;
	[tilespmem:$0x1080] =	vst v63  }
0x2a: {  	s1 =	sadd.s32 $0x1, s1;
	_ =	swait.ge @!p0 [sflag:s11], $0x1000  }
0x2b: {  	p1 =	sne.s32 s1, s4;
	[sflag:s11] =	ssyncset.done @!p0 $0x0  }
.Ltmp1:
0x2c: {  	[sflag:s11] =	ssyncadd.s32 @!p0 $0xFFFFF000;
	s11 =	simm.s32 @!p0 $0x2;
	(pc) =	sbr.rel @p1 .LBB2_1-.Ltmp1, $4  }
0x2d: {  	[hbm4b:s8+s9] =	stream.linear.scatter @!p0 [tilespmem:s10], [sflag:$0x2], $0x1000, $0x38;
	[tilespmem:$0x1080] =	vst v63  }
0x2e: {  	_ =	swait.ge @!p0 [sflag:s11], $0x1000  }
0x2f: {  	[sflag:s11] =	ssyncset.done @!p0 $0x0  }
0x30: {  	[sflag:s11] =	ssyncadd.s32 @!p0 $0xFFFFF000  }
0x31: {  	_ =	sfence.sel $0x180000  }
0x32: {  	[bflag:$0x0] =	sbarrier.arrive $0xFFFF  }
0x33: {  	p0 =	sne.s32 s2, $0x0;
	_ =	strace $0x90000047  }
0x34: {  	s0 =	sadd.s32 @!p0 $0x100000, s0;
	[bflag:$0x2] =	sbarrier.arrive $0xFFFF  }
0x35: {  	[sflag:s0] =	ssyncadd.tile.s32 @!p0 $0x1;
	_ =	shalt  }
.Lfunc_end2:
_tile_overlayer_lowered:
.L_overlay_start_2:
0x36: {  	(tag) =	ssettag $0x2  }
0x37: {  	s0 =	rddreg [dreg:$0x0];
	s2 =	stileid.u32  }
0x38: {  	s1 =	rddreg [dreg:$0x1];
	p0 =	sne.s32 s2, $0x0  }
0x39: {  	s3 =	rddreg [dreg:$0x2];
	[bflag:$0x3] =	sbarrier.arrive $0xFFFF;
	s2 =	simm.s32 @!p0 $0x1C02  }
0x3a: {  	[timem:s3], [sflag:s2] =	dma.local @!p0 [hbm:s0], s1  }
0x3b: {  	s0 =	simm.s32 @!p0 $0x2  }
0x3c: {  	_ =	swait.ge @!p0 [sflag:s0], s1  }
0x3d: {  	s1 =	ssub.s32 @!p0 $0x0, s1;
	[sflag:s0] =	ssyncset.done @!p0 $0x0  }
0x3e: {  	[sflag:s0] =	ssyncadd.s32 @!p0 s1  }
0x3f: {  	[bflag:$0x3] =	sbarrier.arrive $0xFFFF  }
0x40: {  	_ =	shalt  }

// kernel: kernel.14.cloned.1.call-start
scs
__scs_entry_jumppad:
0x0: {  	(pc) =	sbr.rel $0x88, $3  }
0x1: {  	(tag) =	ssettag $0x0;
	lr =	simm.s32 $0x1  }
0x2: {  	[smem:$0x3F8E] =	sst lr;
	_ =	strace $0xD0000000  }
0x3: {  	_ = 	snop  }
0x4: {  	_ = 	snop  }
0x5: {  	_ = 	snop  }
0x6: {  	_ = 	snop  }
0x7: {  	_ = 	snop  }
__scs_overlays_trampoline_lowered:
0x8: {  	[smem:$0x3F9D] =	sst s0  }
0x9: {  	[smem:$0x3F9E] =	sst s1  }
0xa: {  	[smem:$0x3F9F] =	sst s2  }
0xb: {  	[smem:$0x3FA0] =	sst s3  }
0xc: {  	[smem:$0x3FA1] =	sst s4  }
0xd: {  	[smem:$0x3FA2] =	sst s5  }
0xe: {  	[smem:$0x3FA3] =	sst s6  }
0xf: {  	[smem:$0x3FA4] =	sst s7  }
0x10: {  	[smem:$0x3FA5] =	sst s8  }
0x11: {  	[smem:$0x3FA6] =	sst s9;
	s0 =	simm.s32 @!p0 $0x0  }
0x12: {  	s1 =	sld [smem:$0x3F8C];
	s0 =	simm.s32 @p0 $0x1  }
0x13: {  	[smem:$0x3FA7] =	sst s0;
	s0 =	simm.s32 @!p1 $0x0  }
0x14: {  	s2 =	sld [smem:$0x3F8B];
	s0 =	simm.s32 @p1 $0x1  }
0x15: {  	[smem:$0x3FA8] =	sst s0;
	s0 =	simm.s32 @!p2 $0x0  }
0x16: {  	s3 =	sld [smem:$0x3FDB];
	s0 =	simm.s32 @p2 $0x1  }
0x17: {  	s4 =	simm.s32 $0x1BF5;
	[smem:$0x3FAA] =	sst s0  }
0x18: {  	s0 =	sld [smem:$0x3F8D];
	_ =	swait.ge [sflag:s4], $0x0  }
0x19: {  	s7 =	sld [smem:$0x3F8E]  }
0x1a: {  	s8 =	sadd.s32 $0xFFFFE003, lr  }
0x1b: {  	s9 =	sadd.s32 $0xFFFFFEF7, lr;
	s5 =	simm.s32 $0xFFFFFFFF;
	p2 =	slt.u32 s8, $0xFFFFF086  }
0x1c: {  	p1 =	slt.u32 s9, $0xF7A;
	s5 =	simm.s32 @!p2 $0x0  }
0x1d: {  	s5 =	simm.s32 @p1 $0x1;
	p0 =	seq.s32 s7, s2  }
0x1e: {  	s7 =	smul.u32 @!p0 $0xF7A, s2;
	p2 =	seq.s32 @!p0 s5, $0x0  }
0x1f: {  	s9 =	smul.u32 $0xF7A, s1;
	s8 =	simm.s32 @!p0 $0x1BF5;
	p2 =	por !p2, p0  }
0x20: {  	[sflag:s8] =	ssyncset.s32 @!p0 $0xFFFFF086;
	s6 =	sadd.s32 @!p0 s3, s7;
	s7 =	simm.s32 @!p0 $0x108  }
0x21: {  	s3 =	sadd.s32 s3, s9;
	s6 =	sadd.s32 @!p0 $0x88, s6;
	s7 =	simm.s32 @p2 $0x1082  }
0x22: {  	[simem:s7], [sflag:s8] =	dma.local @!p0 [hbm:s6], $0xF7A  }
0x23: {  	s9 =	sor.u32 $0xD0000000, s2;
	s6 =	simm.s32 $0x108;
	_ =	swait.ge @!p0 [sflag:s8], $0x0  }
0x24: {  	s3 =	sadd.s32 $0x88, s3;
	s6 =	simm.s32 @!p1 $0x1082;
	[sflag:s4] =	ssyncset.s32 $0xFFFFF086  }
0x25: {  	[simem:s6], [sflag:s4] =	dma.local [hbm:s3], $0xF7A  }
0x26: {  	[smem:$0x3F8E] =	sst s1;
	(tag) =	ssettag s2;
	_ =	strace s9  }
0x27: {  	s1 =	sld [smem:$0x3F9E]  }
0x28: {  	s2 =	sld [smem:$0x3F9F]  }
0x29: {  	s4 =	sld [smem:$0x3FA1]  }
0x2a: {  	p0 =	seq.s32 s5, $0x0;
	s5 =	sld [smem:$0x3FA2]  }
0x2b: {  	s6 =	sld [smem:$0x3FA3]  }
0x2c: {  	s7 =	sld [smem:$0x3FA4]  }
0x2d: {  	s3 =	simm.s32 $0x108;
	s8 =	sld [smem:$0x3FA5]  }
0x2e: {  	s3 =	simm.s32 @!p0 $0x1082;
	s9 =	sld [smem:$0x3FA6]  }
0x2f: {  	lr =	sadd.s32 s0, s3;
	s0 =	sld [smem:$0x3F9D]  }
0x30: {  	s3 =	sld [smem:$0x3FA0]  }
0x31: {  	[smem:$0x3FA9] =	sst s10  }
0x32: {  	s10 =	sld [smem:$0x3FA7];
	_ =	sdelay $0x3  }
0x33: {  	p0 =	seq.s32 s10, $0x1;
	s10 =	sld [smem:$0x3FA9];
	_ =	sdelay $0x3  }
0x34: {  	[smem:$0x3FA9] =	sst s10  }
0x35: {  	s10 =	sld [smem:$0x3FA8];
	_ =	sdelay $0x3  }
0x36: {  	p1 =	seq.s32 s10, $0x1;
	s10 =	sld [smem:$0x3FA9];
	_ =	sdelay $0x3  }
0x37: {  	[smem:$0x3FA9] =	sst s10  }
0x38: {  	s10 =	sld [smem:$0x3FAA]  }
0x39: {  	_ = 	snop;
	(pc) =	sbr.ind lr, $3  }
0x3a: {  	_ = 	snop  }
0x3b: {  	_ = 	snop  }
0x3c: {  	p2 =	seq.s32 s10, $0x1;
	s10 =	sld [smem:$0x3FA9]  }
0x3d: {  	_ =	shalt  }
0x3e: {  	_ =	shalt  }
0x3f: {  	_ =	shalt  }
0x40: {  	_ =	shalt  }
0x41: {  	_ =	shalt  }
0x42: {  	_ =	shalt  }
0x43: {  	_ =	shalt  }
0x44: {  	_ =	shalt  }
0x45: {  	_ =	shalt  }
0x46: {  	_ =	shalt  }
0x47: {  	_ =	shalt  }
0x48: {  	_ =	shalt  }
0x49: {  	_ =	shalt  }
0x4a: {  	_ =	shalt  }
0x4b: {  	_ =	shalt  }
0x4c: {  	_ =	shalt  }
0x4d: {  	_ =	shalt  }
0x4e: {  	_ =	shalt  }
0x4f: {  	_ =	shalt  }
0x50: {  	_ =	shalt  }
0x51: {  	_ =	shalt  }
0x52: {  	_ =	shalt  }
0x53: {  	_ =	shalt  }
0x54: {  	_ =	shalt  }
0x55: {  	_ =	shalt  }
0x56: {  	_ =	shalt  }
0x57: {  	_ =	shalt  }
0x58: {  	_ =	shalt  }
0x59: {  	_ =	shalt  }
0x5a: {  	_ =	shalt  }
0x5b: {  	_ =	shalt  }
0x5c: {  	_ =	shalt  }
0x5d: {  	_ =	shalt  }
0x5e: {  	_ =	shalt  }
0x5f: {  	_ =	shalt  }
0x60: {  	_ =	shalt  }
0x61: {  	_ =	shalt  }
0x62: {  	_ =	shalt  }
0x63: {  	_ =	shalt  }
0x64: {  	_ =	shalt  }
0x65: {  	_ =	shalt  }
0x66: {  	_ =	shalt  }
0x67: {  	_ =	shalt  }
0x68: {  	_ =	shalt  }
0x69: {  	_ =	shalt  }
0x6a: {  	_ =	shalt  }
0x6b: {  	_ =	shalt  }
0x6c: {  	_ =	shalt  }
0x6d: {  	_ =	shalt  }
0x6e: {  	_ =	shalt  }
0x6f: {  	_ =	shalt  }
0x70: {  	_ =	shalt  }
0x71: {  	_ =	shalt  }
0x72: {  	_ =	shalt  }
0x73: {  	_ =	shalt  }
0x74: {  	_ =	shalt  }
0x75: {  	_ =	shalt  }
0x76: {  	_ =	shalt  }
0x77: {  	_ =	shalt  }
0x78: {  	_ =	shalt  }
0x79: {  	_ =	shalt  }
0x7a: {  	_ =	shalt  }
0x7b: {  	_ =	shalt  }
0x7c: {  	_ =	shalt  }
0x7d: {  	_ =	shalt  }
0x7e: {  	_ =	shalt  }
0x7f: {  	_ =	shalt  }
0x80: {  	_ =	shalt  }
0x81: {  	_ =	shalt  }
0x82: {  	_ =	shalt  }
0x83: {  	_ =	shalt  }
0x84: {  	_ =	shalt  }
0x85: {  	_ =	shalt  }
0x86: {  	_ =	shalt  }
0x87: {  	_ =	shalt  }
.Lfunc_end0:
.L_simem_size_0:
called_computation.1_lowered:
.L_overlay_start_0:
0x88: {  	s2 =	sld [smem:$0x3FD9]  }
0x89: {  	s3 =	sld [smem:$0x3FFE];
	_ =	sdelay $0x1  }
0x8a: {  	s1 =	srdreg.scid  }
0x8b: {  	s0 =	sand.u32 $0x1, s1  }
0x8c: {  	s16 =	sshll.u32 s0, $0xA;
	s2 =	sadd.s32 s3, s2  }
0x8d: {  	s2 =	sadd.s32 s2, s16  }
0x8e: {  	[smem:$0x3FB5] =	sst s2  }
0x8f: {  	_ = 	snop  }
0x90: {  	(tm) =	ssettm $0x1  }
0x91: {  	s17 =	sld [smem:$0x3FFB];
	_ =	sdelay $0x3  }
0x92: {  	_ =	strace s17  }
0x93: {  	s2 =	sld [smem:$0x3FFC];
	_ =	sdelay $0x3  }
0x94: {  	_ =	strace s2  }
0x95: {  	s2 =	sld [smem:$0x3FFD];
	_ =	sdelay $0x3  }
0x96: {  	_ =	strace s2  }
0x97: {  	_ =	strace $0x8FFFFFFF  }
0x98: {  	s18 =	sld [smem:$0x3FDB];
	_ =	sdelay $0x1  }
0x99: {  	s19 =	simm.s32 $_scs_section_size  }
0x9a: {  	s4 =	simm.s32 $_size__tile_overlayer_lowered;
	s5 =	simm.s32 $_tile_overlayer_lowered  }
0x9b: {  	s22 =	simm.s32 $0x1BFF;
	s21 =	sshll.u32 s5, $0x1;
	s2 =	sadd.s32 s19, s18  }
0x9c: {  	s6 =	simm.s32 $0x0;
	s20 =	sshll.u32 s4, $0x1;
	s4 =	sadd.s32 s21, s2  }
0x9d: {  	[timem:s6], [sflag:s22] =	dma.local [hbm:s4], s20  }
0x9e: {  	_ =	swait.ge [sflag:s22], s20  }
0x9f: {  	s3 =	ssub.s32 $0x0, s20;
	[sflag:s22] =	ssyncset.done $0x0  }
0xa0: {  	[sflag:s22] =	ssyncadd.s32 s3;
	_ =	sdelay $0x1  }
0xa1: {  	s23 =	simm.s32 $0x1B8B  }
0xa2: {  	_ =	swait.ge [sflag:s23], $0x1  }
0xa3: {  	[sflag:s23] =	ssyncset.done $0x0  }
0xa4: {  	s25 =	simm.s32 $0x1B8E;
	s24 =	sld [smem:$0x3FFE];
	[sflag:s23] =	ssyncadd.s32 $0xFFFFFFFF  }
0xa5: {  	s26 =	simm.s32 $execute0_lowered;
	[smem:$0x3FD2] =	sst s25  }
0xa6: {  	s4 =	sshll.u32 s26, $0x1;
	_ =	strace $0x80000049;
	[dreg:$0x1] =	wrdreg $0xFFFFFFFF  }
0xa7: {  	s28 =	simm.s32 $_size_execute0_lowered;
	s2 =	sadd.s32 s2, s4;
	[dreg:$0x0] =	wrdreg $0x0  }
0xa8: {  	s4 =	sshll.u32 s28, $0x1;
	[dreg:$0x2] =	wrdreg s2  }
0xa9: {  	[dreg:$0x3] =	wrdreg s4  }
0xaa: {  	[dreg:$0x4] =	wrdreg $0xC0  }
0xab: {  	_ =	task [dreg:s6], $0x5FFFF  }
0xac: {  	[dreg:$0x1] =	wrdreg $0xFFFFFFFF  }
0xad: {  	[dreg:$0x0] =	wrdreg $0x60  }
0xae: {  	[dreg:$0x2] =	wrdreg s24  }
0xaf: {  	[dreg:$0x3] =	wrdreg $0x70800  }
0xb0: {  	[dreg:$0x4] =	wrdreg $0xD0800  }
0xb1: {  	[dreg:$0x5] =	wrdreg $0x9  }
0xb2: {  	_ =	task.clear_ibuf [dreg:s6], $0x6FFFF;
	_ =	strace $0x90000049  }
0xb3: {  	s29 =	simm.s32 $0x9;
	_ =	strace $0x8000004B  }
0xb4: {  	_ =	swait.ge [sflag:s29], $0x1  }
0xb5: {  	[sflag:s29] =	ssyncadd.s32 $0xFFFFFFFF  }
0xb6: {  	_ =	strace $0x9000004B  }
0xb7: {  	_ =	sfence  }
0xb8: {  	s30 =	sld [smem:$0x0];
	_ =	sdelay $0x2  }
0xb9: {  	s31 =	sshll.u32 s1, $0xD;
	s1 =	sshrl.u32 s1, $0x2  }
0xba: {  	s3 =	sand.u32 $0x4000, s31;
	s1 =	sadd.s32 s1, s30  }
0xbb: {  	s0 =	sor.u32 s3, s0;
	s1 =	sshll.u32 s1, $0x11  }
0xbc: {  	s0 =	sor.u32 s1, s0  }
0xbd: {  	s0 =	sadd.s32 $0x8F2B, s0  }
0xbe: {  	[sflag:s0] =	ssyncadd.remote.s32 $0x1  }
0xbf: {  	_ =	sfence.sel $0xFFFF  }
0xc0: {  	[dreg:$0x0] =	wrdreg $0xFFFFFFFF;
	(pc) =	sbr.abs _section_cstart, $3  }
0xc1: {  	[dreg:$0x1] =	wrdreg $0xFFFFFFFF  }
0xc2: {  	_ =	task.clear_ibuf [dreg:s6], $0x2FFFF;
	_ =	strace $0x9FFFFFFF  }
0xc3: {  	(tm) =	ssettm $0x7FFFFFFF  }
tec
execute0_lowered:
.L_overlay_start_1:
0x0: {  	(tag) =	ssettag $0x1  }
0x1: {  	s5 =	rddreg [dreg:$0x0]  }
0x2: {  	s2 =	rddreg [dreg:$0x1];
	s1 =	srdreg.scid  }
0x3: {  	s0 =	stileid.u32;
	s3 =	rddreg [dreg:$0x2]  }
0x4: {  	s4 =	simm.s32 $0x0;
	s23 =	simm.s32 $0x2080;
	s24 =	simm.s32 $0x0  }
0x5: {  	s6 =	sand.u32 $0x1, s1;
	s16 =	smul.u32 $0x5000, s0;
	[smem:$0x7FF] =	sst s4  }
0x6: {  	s21 =	sshll.u32 s0, $0x4;
	s22 =	sshll.u32 s0, $0x9;
	s7 =	smul.u32 $0x50000, s6  }
0x7: {  	s8 =	sshll.u32 s6, $0xD;
	_ =	strace $0x8000004A;
	s29 =	sshll.u32 s6, $0x8  }
0x8: {  	s9 =	ssub.s32 $0x2, s6;
	s20 =	sshll.u32 s6, $0x4;
	s19 =	sadd.s32 s8, s5  }
0x9: {  	s17 =	sadd.s32 s29, s5;
	s31 =	sshrl.u32 s9, $0x1;
	s11 =	sadd.s32 $0x1000, s16  }
0xa: {  	s13 =	sadd.s32 $0x2000, s16;
	s15 =	sadd.s32 $0x3000, s16;
	s18 =	sadd.s32 $0x4000, s16  }
0xb: {  	s20 =	sor.u32 s20, s0;
	s7 =	sadd.s32 s16, s7;
	s9 =	ssub.s32 s9, s31  }
0xc: {  	s10 =	sadd.s32 s11, s2;
	s11 =	sadd.s32 s11, s3;
	s12 =	sadd.s32 s13, s2  }
0xd: {  	s13 =	sadd.s32 s13, s3;
	s14 =	sadd.s32 s15, s2;
	s15 =	sadd.s32 s15, s3  }
0xe: {  	s21 =	sadd.s32 s21, s17;
	s17 =	sadd.s32 s18, s3;
	s19 =	sadd.s32 s22, s19  }
0xf: {  	s22 =	simm.s32 $0x1;
	s7 =	sshrl.u32 s7, $0x3;
	s19 =	sadd.s32 $0x37600, s19  }
0x10: {  	s30 =	sadd.s32 s7, s5;
	s5 =	sadd.s32 s16, s2;
	s7 =	sadd.s32 s16, s3  }
0x11: {  	s16 =	sadd.s32 s18, s2;
	s18 =	sadd.s32 $0xB400, s21;
	s21 =	simm.s32 $0x1080  }
0x12: {  	v0 =	vimm.f32 $0.0e+00;
	v1 =	vimm.f32 $1.000000000e+00;
	s9 =	smax.u32 s9, $0x1;
	s6 =	sadd.s32 $0x362800, s30;
	s8 =	sadd.s32 $0x34E800, s30  }
.LBB2_1:
0x13: {  	s26 =	simm.s32 $0x80;
	s25 =	simm.s32 $0x0  }
.LBB2_2:
0x14: {  	p0 =	sne.s32 s26, $0x3F80;
	[tilespmem:s25+$0xC090] =	vst v1;
	s28 =	smov.u32 s26;
	s26 =	sadd.s32 $0x80, s26  }
.Ltmp0:
0x15: {  	[tilespmem:s25+$0xC080] =	vst v1;
	(pc) =	sbr.rel @p0 .LBB2_2-.Ltmp0, $3  }
0x16: {  	[tilespmem:s25+$0x1080] =	vst v0  }
0x17: {  	[tilespmem:s25+$0x1090] =	vst v0;
	_ =	sdelay $0x1  }
0x18: {  	s25 =	sshra.s32 s28, $0x2  }
0x19: {  	[tilespmem:s25+$0xC090] =	vst v1  }
0x1a: {  	[tilespmem:s25+$0xC080] =	vst v1  }
0x1b: {  	[tilespmem:s25+$0x1080] =	vst v0  }
0x1c: {  	[tilespmem:s25+$0x1090] =	vst v0  }
0x1d: {  	[spmem:s5] =	stream.linear.scatter [tilespmem:s21], [sflag:$0x1], $0x1000, $0x38;
	[tilespmem:$0x12080] =	vst v63  }
0x1e: {  	_ =	swait.ge [sflag:s22], $0x1000  }
0x1f: {  	[sflag:s22] =	ssyncset.done $0x0  }
0x20: {  	[sflag:s22] =	ssyncadd.s32 $0xFFFFF000  }
0x21: {  	[spmem:s7] =	stream.linear.scatter [tilespmem:s21], [sflag:$0x1], $0x1000, $0x38;
	[tilespmem:$0x12080] =	vst v63  }
0x22: {  	_ =	swait.ge [sflag:s22], $0x1000  }
0x23: {  	[sflag:s22] =	ssyncset.done $0x0  }
0x24: {  	[sflag:s22] =	ssyncadd.s32 $0xFFFFF000  }
0x25: {  	[spmem:s10] =	stream.linear.scatter [tilespmem:s21], [sflag:$0x1], $0x1000, $0x38;
	[tilespmem:$0x12080] =	vst v63  }
0x26: {  	_ =	swait.ge [sflag:s22], $0x1000  }
0x27: {  	[sflag:s22] =	ssyncset.done $0x0  }
0x28: {  	[sflag:s22] =	ssyncadd.s32 $0xFFFFF000  }
0x29: {  	[spmem:s11] =	stream.linear.scatter [tilespmem:s21], [sflag:$0x1], $0x1000, $0x38;
	[tilespmem:$0x12080] =	vst v63  }
0x2a: {  	_ =	swait.ge [sflag:s22], $0x1000  }
0x2b: {  	[sflag:s22] =	ssyncset.done $0x0  }
0x2c: {  	[sflag:s22] =	ssyncadd.s32 $0xFFFFF000  }
0x2d: {  	[spmem:s12] =	stream.linear.scatter [tilespmem:s21], [sflag:$0x1], $0x1000, $0x38;
	[tilespmem:$0x12080] =	vst v63  }
0x2e: {  	_ =	swait.ge [sflag:s22], $0x1000  }
0x2f: {  	[sflag:s22] =	ssyncset.done $0x0  }
0x30: {  	[sflag:s22] =	ssyncadd.s32 $0xFFFFF000  }
0x31: {  	[spmem:s13] =	stream.linear.scatter [tilespmem:s21], [sflag:$0x1], $0x1000, $0x38;
	[tilespmem:$0x12080] =	vst v63  }
0x32: {  	_ =	swait.ge [sflag:s22], $0x1000  }
0x33: {  	[sflag:s22] =	ssyncset.done $0x0  }
0x34: {  	[sflag:s22] =	ssyncadd.s32 $0xFFFFF000  }
0x35: {  	[spmem:s14] =	stream.linear.scatter [tilespmem:s21], [sflag:$0x1], $0x1000, $0x38;
	[tilespmem:$0x12080] =	vst v63  }
0x36: {  	_ =	swait.ge [sflag:s22], $0x1000  }
0x37: {  	[sflag:s22] =	ssyncset.done $0x0  }
0x38: {  	[sflag:s22] =	ssyncadd.s32 $0xFFFFF000  }
0x39: {  	[spmem:s15] =	stream.linear.scatter [tilespmem:s21], [sflag:$0x1], $0x1000, $0x38;
	[tilespmem:$0x12080] =	vst v63  }
0x3a: {  	_ =	swait.ge [sflag:s22], $0x1000  }
0x3b: {  	[sflag:s22] =	ssyncset.done $0x0  }
0x3c: {  	[sflag:s22] =	ssyncadd.s32 $0xFFFFF000  }
0x3d: {  	[spmem:s16] =	stream.linear.scatter [tilespmem:s21], [sflag:$0x1], $0x1000, $0x38;
	[tilespmem:$0x12080] =	vst v63  }
0x3e: {  	_ =	swait.ge [sflag:s22], $0x1000  }
0x3f: {  	[sflag:s22] =	ssyncset.done $0x0  }
0x40: {  	[sflag:s22] =	ssyncadd.s32 $0xFFFFF000  }
0x41: {  	[spmem:s17] =	stream.linear.scatter [tilespmem:s21], [sflag:$0x1], $0x1000, $0x38;
	[tilespmem:$0x12080] =	vst v63  }
0x42: {  	_ =	swait.ge [sflag:s22], $0x1000  }
0x43: {  	s31 =	sadd.s32 $0x0, s20;
	[sflag:s22] =	ssyncset.done $0x0  }
0x44: {  	p0 =	sgt.u32 s31, $0x4E1;
	[sflag:s22] =	ssyncadd.s32 $0xFFFFF000  }
0x45: {  	s25 =	simm.s32 @!p0 $0x0;
	s28 =	simm.s32 @!p0 $0x2;
	[bflag:$0x0] =	sbarrier.arrive $0xFFFF  }
0x46: {  	[tilespmem:s25], [sflag:$0x2] =	stream.linear.gather @!p0 [hbm4b:s18+s25], $0x80, $0x38;
	[tilespmem:$0x12080] =	vst v63  }
0x47: {  	_ =	swait.ge @!p0 [sflag:s28], $0x80  }
0x48: {  	[sflag:s28] =	ssyncset.done @!p0 $0x0;
	p0 =	por p0, p0  }
0x49: {  	[sflag:s28] =	ssyncadd.s32 @!p0 $0xFFFFFF80;
	s30 =	simm.s32 @!p0 $0x80  }
0x4a: {  	[tilespmem:s30], [sflag:$0x2] =	stream.linear.gather @!p0 [hbm4b:s19+s25], $0x1000, $0x38;
	[tilespmem:$0x12080] =	vst v63  }
0x4b: {  	_ =	swait.ge @!p0 [sflag:s28], $0x1000  }
0x4c: {  	[sflag:s28] =	ssyncset.done @!p0 $0x0  }
0x4d: {  	[sflag:s28] =	ssyncadd.s32 @!p0 $0xFFFFF000  }
0x4e: {  	[spmem:s2] =	stream.indirect.scatter.add.f32 @!p0 [tilespmem:s30], [sflag:$0x2], $0x20, s25, s30, $0xb8;
	[tilespmem:$0x12080] =	vst v63  }
0x4f: {  	_ =	swait.ge @!p0 [sflag:s28], $0x1000  }
0x50: {  	s26 =	simm.s32 $0x40;
	[sflag:s28] =	ssyncset.done @!p0 $0x0  }
0x51: {  	s29 =	simm.s32 @!p0 $0x1;
	[sflag:s28] =	ssyncadd.s32 @!p0 $0xFFFFF000;
	s28 =	simm.s32 @!p0 $0xC080  }
0x52: {  	[spmem:s3] =	stream.indirect.scatter.add.f32 @!p0 [tilespmem:s28], [sflag:$0x1], $0x20, s25, s30, $0xb8;
	[tilespmem:$0x12080] =	vst v63  }
0x53: {  	s28 =	sadd.s32 $0x20, s20;
	s25 =	sadd.s32 $0x4000, s19;
	_ =	swait.ge @!p0 [sflag:s29], $0x1000  }
0x54: {  	p2 =	sgt.u32 s28, $0x4E1;
	s28 =	sadd.s32 $0x200, s18;
	[sflag:s29] =	ssyncset.done @!p0 $0x0  }
.LBB2_4:
0x55: {  	s30 =	simm.s32 @!p2 $0x0;
	s31 =	simm.s32 @!p2 $0x2;
	[sflag:s29] =	ssyncadd.s32 @!p0 $0xFFFFF000  }
0x56: {  	[tilespmem:s30], [sflag:$0x2] =	stream.linear.gather @!p2 [hbm4b:s28+s30], $0x80, $0x38;
	[tilespmem:$0x12080] =	vst v63  }
0x57: {  	s1 =	smov.u32 s26;
	s26 =	sadd.s32 $0x20, s26;
	_ =	swait.ge @!p2 [sflag:s31], $0x80  }
0x58: {  	p0 =	por p2, p2;
	p1 =	sne.s32 s26, $0x500;
	[sflag:s31] =	ssyncset.done @!p2 $0x0  }
0x59: {  	s0 =	simm.s32 @!p0 $0x80;
	[sflag:s31] =	ssyncadd.s32 @!p0 $0xFFFFFF80  }
0x5a: {  	[tilespmem:s0], [sflag:$0x2] =	stream.linear.gather @!p0 [hbm4b:s25+s30], $0x1000, $0x38;
	[tilespmem:$0x12080] =	vst v63  }
0x5b: {  	_ =	swait.ge @!p0 [sflag:s31], $0x1000  }
0x5c: {  	[sflag:s31] =	ssyncset.done @!p0 $0x0  }
0x5d: {  	[sflag:s31] =	ssyncadd.s32 @!p0 $0xFFFFF000  }
0x5e: {  	[spmem:s2] =	stream.indirect.scatter.add.f32 @!p0 [tilespmem:s0], [sflag:$0x2], $0x20, s30, s0, $0xb8;
	[tilespmem:$0x12080] =	vst v63  }
0x5f: {  	_ =	swait.ge @!p0 [sflag:s31], $0x1000  }
.Ltmp1:
0x60: {  	[sflag:s31] =	ssyncset.done @!p0 $0x0;
	(pc) =	sbr.rel @p1 .LBB2_4-.Ltmp1, $4  }
0x61: {  	s29 =	simm.s32 @!p0 $0x1;
	[sflag:s31] =	ssyncadd.s32 @!p0 $0xFFFFF000;
	s31 =	simm.s32 @!p0 $0xC080  }
0x62: {  	[spmem:s3] =	stream.indirect.scatter.add.f32 @!p0 [tilespmem:s31], [sflag:$0x1], $0x20, s30, s0, $0xb8;
	[tilespmem:$0x12080] =	vst v63  }
0x63: {  	s25 =	sadd.s32 $0x4000, s25;
	s0 =	sadd.s32 s1, s20;
	_ =	swait.ge @!p0 [sflag:s29], $0x1000  }
0x64: {  	s28 =	sadd.s32 $0x200, s28;
	p2 =	sgt.u32 s0, $0x4E1;
	[sflag:s29] =	ssyncset.done @!p0 $0x0  }
0x65: {  	s0 =	simm.s32 @!p2 $0x0;
	s1 =	simm.s32 @!p2 $0x2;
	[sflag:s29] =	ssyncadd.s32 @!p0 $0xFFFFF000  }
0x66: {  	[tilespmem:s0], [sflag:$0x2] =	stream.linear.gather @!p2 [hbm4b:s28+s0], $0x80, $0x38;
	[tilespmem:$0x12080] =	vst v63  }
0x67: {  	_ =	swait.ge @!p2 [sflag:s1], $0x80  }
0x68: {  	p0 =	por p2, p2;
	[sflag:s1] =	ssyncset.done @!p2 $0x0  }
0x69: {  	s26 =	simm.s32 @!p0 $0x80;
	[sflag:s1] =	ssyncadd.s32 @!p0 $0xFFFFFF80  }
0x6a: {  	[tilespmem:s26], [sflag:$0x2] =	stream.linear.gather @!p0 [hbm4b:s25+s0], $0x1000, $0x38;
	[tilespmem:$0x12080] =	vst v63  }
0x6b: {  	_ =	swait.ge @!p0 [sflag:s1], $0x1000  }
0x6c: {  	[sflag:s1] =	ssyncset.done @!p0 $0x0  }
0x6d: {  	[sflag:s1] =	ssyncadd.s32 @!p0 $0xFFFFF000  }
0x6e: {  	[spmem:s2] =	stream.indirect.scatter.add.f32 @!p0 [tilespmem:s26], [sflag:$0x2], $0x20, s0, s26, $0xb8;
	[tilespmem:$0x12080] =	vst v63  }
0x6f: {  	_ =	swait.ge @!p0 [sflag:s1], $0x1000  }
0x70: {  	[sflag:s1] =	ssyncset.done @!p0 $0x0  }
0x71: {  	s25 =	simm.s32 @!p0 $0x1;
	[sflag:s1] =	ssyncadd.s32 @!p0 $0xFFFFF000;
	s1 =	simm.s32 @!p0 $0xC080  }
0x72: {  	[spmem:s3] =	stream.indirect.scatter.add.f32 @!p0 [tilespmem:s1], [sflag:$0x1], $0x20, s0, s26, $0xb8;
	[tilespmem:$0x12080] =	vst v63  }
0x73: {  	_ =	swait.ge @!p0 [sflag:s25], $0x1000  }
0x74: {  	[sflag:s25] =	ssyncset.done @!p0 $0x0  }
0x75: {  	[sflag:s25] =	ssyncadd.s32 @!p0 $0xFFFFF000  }
0x76: {  	[bflag:$0x0] =	sbarrier.arrive $0xFFFF  }
0x77: {  	[tilespmem:s23], [sflag:$0x1] =	stream.linear.gather [spmem:s5], $0x5000, $0x38;
	[tilespmem:$0x12080] =	vst v63  }
0x78: {  	_ =	swait.ge [sflag:s22], $0x5000  }
0x79: {  	[sflag:s22] =	ssyncset.done $0x0  }
0x7a: {  	[sflag:s22] =	ssyncadd.s32 $0xFFFFB000  }
0x7b: {  	[hbm4b:s6+s4] =	stream.linear.scatter [tilespmem:s23], [sflag:$0x1], $0x5000, $0x38;
	[tilespmem:$0x12080] =	vst v63  }
0x7c: {  	_ =	swait.ge [sflag:s22], $0x5000  }
0x7d: {  	[sflag:s22] =	ssyncset.done $0x0  }
0x7e: {  	[sflag:s22] =	ssyncadd.s32 $0xFFFFB000  }
0x7f: {  	[tilespmem:s23], [sflag:$0x1] =	stream.linear.gather [spmem:s7], $0x5000, $0x38;
	[tilespmem:$0x12080] =	vst v63  }
0x80: {  	s24 =	sadd.s32 $0x1, s24;
	_ =	swait.ge [sflag:s22], $0x5000  }
0x81: {  	p0 =	sne.s32 s24, s9;
	[sflag:s22] =	ssyncset.done $0x0  }
.Ltmp2:
0x82: {  	[sflag:s22] =	ssyncadd.s32 $0xFFFFB000;
	(pc) =	sbr.rel @p0 .LBB2_1-.Ltmp2, $4  }
0x83: {  	[hbm4b:s8+s4] =	stream.linear.scatter [tilespmem:s23], [sflag:$0x1], $0x5000, $0x38;
	[tilespmem:$0x12080] =	vst v63  }
0x84: {  	_ =	swait.ge [sflag:s22], $0x5000  }
0x85: {  	[sflag:s22] =	ssyncset.done $0x0  }
0x86: {  	[sflag:s22] =	ssyncadd.s32 $0xFFFFB000  }
0x87: {  	_ =	sfence.sel $0x180000  }
0x88: {  	[bflag:$0x0] =	sbarrier.arrive $0xFFFF  }
0x89: {  	_ =	strace $0x9000004A  }
0x8a: {  	s0 =	stileid.u32;
	[bflag:$0x2] =	sbarrier.arrive $0xFFFF  }
0x8b: {  	p0 =	sne.s32 s0, $0x0;
	s0 =	rddreg [dreg:$0x3]  }
0x8c: {  	s0 =	sadd.s32 @!p0 $0x100000, s0  }
0x8d: {  	[sflag:s0] =	ssyncadd.tile.s32 @!p0 $0x1;
	_ =	shalt  }
.Lfunc_end2:
_tile_overlayer_lowered:
.L_overlay_start_2:
0x8e: {  	(tag) =	ssettag $0x2  }
0x8f: {  	s0 =	rddreg [dreg:$0x0];
	s2 =	stileid.u32  }
0x90: {  	s1 =	rddreg [dreg:$0x1];
	p0 =	sne.s32 s2, $0x0  }
0x91: {  	s3 =	rddreg [dreg:$0x2];
	[bflag:$0x3] =	sbarrier.arrive $0xFFFF;
	s2 =	simm.s32 @!p0 $0x1C01  }
0x92: {  	[timem:s3], [sflag:s2] =	dma.local @!p0 [hbm:s0], s1  }
0x93: {  	s0 =	simm.s32 @!p0 $0x1  }
0x94: {  	_ =	swait.ge @!p0 [sflag:s0], s1  }
0x95: {  	s1 =	ssub.s32 @!p0 $0x0, s1;
	[sflag:s0] =	ssyncset.done @!p0 $0x0  }
0x96: {  	[sflag:s0] =	ssyncadd.s32 @!p0 s1  }
0x97: {  	[bflag:$0x3] =	sbarrier.arrive $0xFFFF  }
0x98: {  	_ =	shalt  }

// kernel: kernel.17.cloned.1.call-start
scs
__scs_entry_jumppad:
0x0: {  	(pc) =	sbr.rel $0x88, $3  }
0x1: {  	(tag) =	ssettag $0x0;
	lr =	simm.s32 $0x1  }
0x2: {  	[smem:$0x3F8E] =	sst lr;
	_ =	strace $0xD0000000  }
0x3: {  	_ = 	snop  }
0x4: {  	_ = 	snop  }
0x5: {  	_ = 	snop  }
0x6: {  	_ = 	snop  }
0x7: {  	_ = 	snop  }
__scs_overlays_trampoline_lowered:
0x8: {  	[smem:$0x3F9D] =	sst s0  }
0x9: {  	[smem:$0x3F9E] =	sst s1  }
0xa: {  	[smem:$0x3F9F] =	sst s2  }
0xb: {  	[smem:$0x3FA0] =	sst s3  }
0xc: {  	[smem:$0x3FA1] =	sst s4  }
0xd: {  	[smem:$0x3FA2] =	sst s5  }
0xe: {  	[smem:$0x3FA3] =	sst s6  }
0xf: {  	[smem:$0x3FA4] =	sst s7  }
0x10: {  	[smem:$0x3FA5] =	sst s8  }
0x11: {  	[smem:$0x3FA6] =	sst s9;
	s0 =	simm.s32 @!p0 $0x0  }
0x12: {  	s1 =	sld [smem:$0x3F8C];
	s0 =	simm.s32 @p0 $0x1  }
0x13: {  	[smem:$0x3FA7] =	sst s0;
	s0 =	simm.s32 @!p1 $0x0  }
0x14: {  	s2 =	sld [smem:$0x3F8B];
	s0 =	simm.s32 @p1 $0x1  }
0x15: {  	[smem:$0x3FA8] =	sst s0;
	s0 =	simm.s32 @!p2 $0x0  }
0x16: {  	s3 =	sld [smem:$0x3FDB];
	s0 =	simm.s32 @p2 $0x1  }
0x17: {  	s4 =	simm.s32 $0x1BF5;
	[smem:$0x3FAA] =	sst s0  }
0x18: {  	s0 =	sld [smem:$0x3F8D];
	_ =	swait.ge [sflag:s4], $0x0  }
0x19: {  	s7 =	sld [smem:$0x3F8E]  }
0x1a: {  	s8 =	sadd.s32 $0xFFFFE003, lr  }
0x1b: {  	s9 =	sadd.s32 $0xFFFFFEF7, lr;
	s5 =	simm.s32 $0xFFFFFFFF;
	p2 =	slt.u32 s8, $0xFFFFF086  }
0x1c: {  	p1 =	slt.u32 s9, $0xF7A;
	s5 =	simm.s32 @!p2 $0x0  }
0x1d: {  	s5 =	simm.s32 @p1 $0x1;
	p0 =	seq.s32 s7, s2  }
0x1e: {  	s7 =	smul.u32 @!p0 $0xF7A, s2;
	p2 =	seq.s32 @!p0 s5, $0x0  }
0x1f: {  	s9 =	smul.u32 $0xF7A, s1;
	s8 =	simm.s32 @!p0 $0x1BF5;
	p2 =	por !p2, p0  }
0x20: {  	[sflag:s8] =	ssyncset.s32 @!p0 $0xFFFFF086;
	s6 =	sadd.s32 @!p0 s3, s7;
	s7 =	simm.s32 @!p0 $0x108  }
0x21: {  	s3 =	sadd.s32 s3, s9;
	s6 =	sadd.s32 @!p0 $0x88, s6;
	s7 =	simm.s32 @p2 $0x1082  }
0x22: {  	[simem:s7], [sflag:s8] =	dma.local @!p0 [hbm:s6], $0xF7A  }
0x23: {  	s9 =	sor.u32 $0xD0000000, s2;
	s6 =	simm.s32 $0x108;
	_ =	swait.ge @!p0 [sflag:s8], $0x0  }
0x24: {  	s3 =	sadd.s32 $0x88, s3;
	s6 =	simm.s32 @!p1 $0x1082;
	[sflag:s4] =	ssyncset.s32 $0xFFFFF086  }
0x25: {  	[simem:s6], [sflag:s4] =	dma.local [hbm:s3], $0xF7A  }
0x26: {  	[smem:$0x3F8E] =	sst s1;
	(tag) =	ssettag s2;
	_ =	strace s9  }
0x27: {  	s1 =	sld [smem:$0x3F9E]  }
0x28: {  	s2 =	sld [smem:$0x3F9F]  }
0x29: {  	s4 =	sld [smem:$0x3FA1]  }
0x2a: {  	p0 =	seq.s32 s5, $0x0;
	s5 =	sld [smem:$0x3FA2]  }
0x2b: {  	s6 =	sld [smem:$0x3FA3]  }
0x2c: {  	s7 =	sld [smem:$0x3FA4]  }
0x2d: {  	s3 =	simm.s32 $0x108;
	s8 =	sld [smem:$0x3FA5]  }
0x2e: {  	s3 =	simm.s32 @!p0 $0x1082;
	s9 =	sld [smem:$0x3FA6]  }
0x2f: {  	lr =	sadd.s32 s0, s3;
	s0 =	sld [smem:$0x3F9D]  }
0x30: {  	s3 =	sld [smem:$0x3FA0]  }
0x31: {  	[smem:$0x3FA9] =	sst s10  }
0x32: {  	s10 =	sld [smem:$0x3FA7];
	_ =	sdelay $0x3  }
0x33: {  	p0 =	seq.s32 s10, $0x1;
	s10 =	sld [smem:$0x3FA9];
	_ =	sdelay $0x3  }
0x34: {  	[smem:$0x3FA9] =	sst s10  }
0x35: {  	s10 =	sld [smem:$0x3FA8];
	_ =	sdelay $0x3  }
0x36: {  	p1 =	seq.s32 s10, $0x1;
	s10 =	sld [smem:$0x3FA9];
	_ =	sdelay $0x3  }
0x37: {  	[smem:$0x3FA9] =	sst s10  }
0x38: {  	s10 =	sld [smem:$0x3FAA]  }
0x39: {  	_ = 	snop;
	(pc) =	sbr.ind lr, $3  }
0x3a: {  	_ = 	snop  }
0x3b: {  	_ = 	snop  }
0x3c: {  	p2 =	seq.s32 s10, $0x1;
	s10 =	sld [smem:$0x3FA9]  }
0x3d: {  	_ =	shalt  }
0x3e: {  	_ =	shalt  }
0x3f: {  	_ =	shalt  }
0x40: {  	_ =	shalt  }
0x41: {  	_ =	shalt  }
0x42: {  	_ =	shalt  }
0x43: {  	_ =	shalt  }
0x44: {  	_ =	shalt  }
0x45: {  	_ =	shalt  }
0x46: {  	_ =	shalt  }
0x47: {  	_ =	shalt  }
0x48: {  	_ =	shalt  }
0x49: {  	_ =	shalt  }
0x4a: {  	_ =	shalt  }
0x4b: {  	_ =	shalt  }
0x4c: {  	_ =	shalt  }
0x4d: {  	_ =	shalt  }
0x4e: {  	_ =	shalt  }
0x4f: {  	_ =	shalt  }
0x50: {  	_ =	shalt  }
0x51: {  	_ =	shalt  }
0x52: {  	_ =	shalt  }
0x53: {  	_ =	shalt  }
0x54: {  	_ =	shalt  }
0x55: {  	_ =	shalt  }
0x56: {  	_ =	shalt  }
0x57: {  	_ =	shalt  }
0x58: {  	_ =	shalt  }
0x59: {  	_ =	shalt  }
0x5a: {  	_ =	shalt  }
0x5b: {  	_ =	shalt  }
0x5c: {  	_ =	shalt  }
0x5d: {  	_ =	shalt  }
0x5e: {  	_ =	shalt  }
0x5f: {  	_ =	shalt  }
0x60: {  	_ =	shalt  }
0x61: {  	_ =	shalt  }
0x62: {  	_ =	shalt  }
0x63: {  	_ =	shalt  }
0x64: {  	_ =	shalt  }
0x65: {  	_ =	shalt  }
0x66: {  	_ =	shalt  }
0x67: {  	_ =	shalt  }
0x68: {  	_ =	shalt  }
0x69: {  	_ =	shalt  }
0x6a: {  	_ =	shalt  }
0x6b: {  	_ =	shalt  }
0x6c: {  	_ =	shalt  }
0x6d: {  	_ =	shalt  }
0x6e: {  	_ =	shalt  }
0x6f: {  	_ =	shalt  }
0x70: {  	_ =	shalt  }
0x71: {  	_ =	shalt  }
0x72: {  	_ =	shalt  }
0x73: {  	_ =	shalt  }
0x74: {  	_ =	shalt  }
0x75: {  	_ =	shalt  }
0x76: {  	_ =	shalt  }
0x77: {  	_ =	shalt  }
0x78: {  	_ =	shalt  }
0x79: {  	_ =	shalt  }
0x7a: {  	_ =	shalt  }
0x7b: {  	_ =	shalt  }
0x7c: {  	_ =	shalt  }
0x7d: {  	_ =	shalt  }
0x7e: {  	_ =	shalt  }
0x7f: {  	_ =	shalt  }
0x80: {  	_ =	shalt  }
0x81: {  	_ =	shalt  }
0x82: {  	_ =	shalt  }
0x83: {  	_ =	shalt  }
0x84: {  	_ =	shalt  }
0x85: {  	_ =	shalt  }
0x86: {  	_ =	shalt  }
0x87: {  	_ =	shalt  }
.Lfunc_end0:
.L_simem_size_0:
called_computation.2_lowered:
.L_overlay_start_0:
0x88: {  	s2 =	sld [smem:$0x3FD9]  }
0x89: {  	s3 =	sld [smem:$0x3FFE];
	_ =	sdelay $0x1  }
0x8a: {  	s1 =	srdreg.scid  }
0x8b: {  	s0 =	sand.u32 $0x1, s1  }
0x8c: {  	s16 =	sshll.u32 s0, $0xA;
	s2 =	sadd.s32 s3, s2  }
0x8d: {  	s2 =	sadd.s32 s2, s16  }
0x8e: {  	[smem:$0x3FB5] =	sst s2  }
0x8f: {  	_ = 	snop  }
0x90: {  	(tm) =	ssettm $0x1  }
0x91: {  	s17 =	sld [smem:$0x3FFB];
	_ =	sdelay $0x3  }
0x92: {  	_ =	strace s17  }
0x93: {  	s2 =	sld [smem:$0x3FFC];
	_ =	sdelay $0x3  }
0x94: {  	_ =	strace s2  }
0x95: {  	s2 =	sld [smem:$0x3FFD];
	_ =	sdelay $0x3  }
0x96: {  	_ =	strace s2  }
0x97: {  	_ =	strace $0x8FFFFFFF  }
0x98: {  	s18 =	sld [smem:$0x3FDB];
	_ =	sdelay $0x1  }
0x99: {  	s19 =	simm.s32 $_scs_section_size  }
0x9a: {  	s4 =	simm.s32 $_size__tile_overlayer_lowered;
	s5 =	simm.s32 $_tile_overlayer_lowered  }
0x9b: {  	s22 =	simm.s32 $0x1BFF;
	s21 =	sshll.u32 s5, $0x1;
	s2 =	sadd.s32 s19, s18  }
0x9c: {  	s6 =	simm.s32 $0x0;
	s20 =	sshll.u32 s4, $0x1;
	s4 =	sadd.s32 s21, s2  }
0x9d: {  	[timem:s6], [sflag:s22] =	dma.local [hbm:s4], s20  }
0x9e: {  	_ =	swait.ge [sflag:s22], s20  }
0x9f: {  	s3 =	ssub.s32 $0x0, s20;
	[sflag:s22] =	ssyncset.done $0x0  }
0xa0: {  	[sflag:s22] =	ssyncadd.s32 s3;
	_ =	sdelay $0x1  }
0xa1: {  	s23 =	simm.s32 $0x1B8B  }
0xa2: {  	_ =	swait.ge [sflag:s23], $0x1  }
0xa3: {  	[sflag:s23] =	ssyncset.done $0x0  }
0xa4: {  	s25 =	simm.s32 $0x1B8E;
	s24 =	sld [smem:$0x3FFE];
	[sflag:s23] =	ssyncadd.s32 $0xFFFFFFFF  }
0xa5: {  	s26 =	simm.s32 $execute0_lowered;
	[smem:$0x3FD2] =	sst s25  }
0xa6: {  	s4 =	sshll.u32 s26, $0x1;
	_ =	strace $0x8000004C;
	[dreg:$0x1] =	wrdreg $0xFFFFFFFF  }
0xa7: {  	s28 =	simm.s32 $_size_execute0_lowered;
	s2 =	sadd.s32 s2, s4;
	[dreg:$0x0] =	wrdreg $0x0  }
0xa8: {  	s4 =	sshll.u32 s28, $0x1;
	[dreg:$0x2] =	wrdreg s2  }
0xa9: {  	[dreg:$0x3] =	wrdreg s4  }
0xaa: {  	[dreg:$0x4] =	wrdreg $0xC0  }
0xab: {  	_ =	task [dreg:s6], $0x5FFFF  }
0xac: {  	[dreg:$0x1] =	wrdreg $0xFFFFFFFF  }
0xad: {  	[dreg:$0x0] =	wrdreg $0x60  }
0xae: {  	[dreg:$0x2] =	wrdreg s24  }
0xaf: {  	[dreg:$0x3] =	wrdreg $0x9  }
0xb0: {  	_ =	task.clear_ibuf [dreg:s6], $0x4FFFF;
	_ =	strace $0x9000004C  }
0xb1: {  	s29 =	simm.s32 $0x9;
	_ =	strace $0x8000004E  }
0xb2: {  	_ =	swait.ge [sflag:s29], $0x1  }
0xb3: {  	[sflag:s29] =	ssyncadd.s32 $0xFFFFFFFF  }
0xb4: {  	_ =	strace $0x9000004E  }
0xb5: {  	_ =	sfence  }
0xb6: {  	s30 =	sld [smem:$0x0];
	_ =	sdelay $0x2  }
0xb7: {  	s31 =	sshll.u32 s1, $0xD;
	s1 =	sshrl.u32 s1, $0x2  }
0xb8: {  	s3 =	sand.u32 $0x4000, s31;
	s1 =	sadd.s32 s1, s30  }
0xb9: {  	s0 =	sor.u32 s3, s0;
	s1 =	sshll.u32 s1, $0x11  }
0xba: {  	s0 =	sor.u32 s1, s0  }
0xbb: {  	s0 =	sadd.s32 $0x8F2B, s0  }
0xbc: {  	[sflag:s0] =	ssyncadd.remote.s32 $0x1  }
0xbd: {  	_ =	sfence.sel $0xFFFF  }
0xbe: {  	[dreg:$0x0] =	wrdreg $0xFFFFFFFF;
	(pc) =	sbr.abs _section_cstart, $3  }
0xbf: {  	[dreg:$0x1] =	wrdreg $0xFFFFFFFF  }
0xc0: {  	_ =	task.clear_ibuf [dreg:s6], $0x2FFFF;
	_ =	strace $0x9FFFFFFF  }
0xc1: {  	(tm) =	ssettm $0x7FFFFFFF  }
tec
execute0_lowered:
.L_overlay_start_1:
0x0: {  	(tag) =	ssettag $0x1  }
0x1: {  	s3 =	rddreg [dreg:$0x0];
	s2 =	srdreg.scid  }
0x2: {  	s0 =	rddreg [dreg:$0x1];
	s1 =	simm.s32 $0x0;
	s4 =	sand.u32 $0x1, s2  }
0x3: {  	[smem:$0x7FF] =	sst s1;
	s2 =	sshll.u32 s4, $0x8  }
0x4: {  	_ =	strace $0x8000004D;
	s6 =	ssub.s32 $0x2, s4;
	s7 =	sshll.u32 s4, $0xD  }
0x5: {  	s9 =	sshll.u32 s4, $0x4;
	s5 =	sadd.s32 s2, s3;
	s2 =	stileid.u32  }
0x6: {  	s8 =	sshrl.u32 s6, $0x1;
	s7 =	sadd.s32 s7, s3;
	s3 =	sadd.s32 $0x37600, s3  }
0x7: {  	s6 =	ssub.s32 s6, s8;
	s29 =	sshll.u32 s2, $0x4;
	s30 =	sshll.u32 s2, $0x9  }
0x8: {  	s5 =	sadd.s32 s29, s5;
	s4 =	smax.u32 s6, $0x1;
	s31 =	sadd.s32 s30, s7  }
0x9: {  	s7 =	sor.u32 s9, s2;
	s5 =	sadd.s32 $0x6400, s5;
	s6 =	sadd.s32 $0x39E800, s31  }
.LBB2_1:
0xa: {  	s8 =	sadd.s32 $0x0, s7  }
0xb: {  	p0 =	sgt.u32 s8, $0x4E1  }
0xc: {  	s8 =	simm.s32 @!p0 $0x0;
	s9 =	simm.s32 @!p0 $0x3  }
0xd: {  	[tilespmem:s8], [sflag:$0x3] =	stream.linear.gather @!p0 [hbm4b:s5+s8], $0x80, $0x38;
	[tilespmem:$0x1080] =	vst v63  }
0xe: {  	_ =	swait.ge @!p0 [sflag:s9], $0x80  }
0xf: {  	[sflag:s9] =	ssyncset.done @!p0 $0x0;
	p0 =	por p0, p0  }
0x10: {  	[sflag:s9] =	ssyncadd.s32 @!p0 $0xFFFFFF80;
	s10 =	simm.s32 @!p0 $0x80;
	s11 =	simm.s32 @!p0 $0x1  }
0x11: {  	[tilespmem:s10], [sflag:$0x1] =	stream.indirect.gather @!p0 [hbm4b:s3+s10], $0x20, s8, s10, $0xb8;
	[tilespmem:$0x1080] =	vst v63  }
0x12: {  	_ =	swait.ge @!p0 [sflag:s11], $0x1000  }
0x13: {  	[sflag:s11] =	ssyncset.done @!p0 $0x0  }
0x14: {  	s31 =	sadd.s32 $0x20, s7;
	[sflag:s11] =	ssyncadd.s32 @!p0 $0xFFFFF000;
	s11 =	simm.s32 @!p0 $0x2  }
0x15: {  	[hbm4b:s6+s8] =	stream.linear.scatter @!p0 [tilespmem:s10], [sflag:$0x2], $0x1000, $0x38;
	[tilespmem:$0x1080] =	vst v63  }
0x16: {  	p1 =	sgt.u32 s31, $0x4E1;
	s9 =	simm.s32 $0x40;
	_ =	swait.ge @!p0 [sflag:s11], $0x1000  }
0x17: {  	s8 =	sadd.s32 $0x4000, s6;
	s10 =	sadd.s32 $0x200, s5;
	[sflag:s11] =	ssyncset.done @!p0 $0x0  }
.LBB2_2:
0x18: {  	s12 =	simm.s32 @!p1 $0x0;
	s13 =	simm.s32 @!p1 $0x3;
	[sflag:s11] =	ssyncadd.s32 @!p0 $0xFFFFF000  }
0x19: {  	[tilespmem:s12], [sflag:$0x3] =	stream.linear.gather @!p1 [hbm4b:s10+s12], $0x80, $0x38;
	[tilespmem:$0x1080] =	vst v63  }
0x1a: {  	s14 =	smov.u32 s9;
	s9 =	sadd.s32 $0x20, s9;
	_ =	swait.ge @!p1 [sflag:s13], $0x80  }
0x1b: {  	p0 =	por p1, p1;
	p2 =	sne.s32 s9, $0x500;
	[sflag:s13] =	ssyncset.done @!p1 $0x0  }
0x1c: {  	s11 =	simm.s32 @!p0 $0x1;
	[sflag:s13] =	ssyncadd.s32 @!p0 $0xFFFFFF80;
	s13 =	simm.s32 @!p0 $0x80  }
0x1d: {  	[tilespmem:s13], [sflag:$0x1] =	stream.indirect.gather @!p0 [hbm4b:s3+s13], $0x20, s12, s13, $0xb8;
	[tilespmem:$0x1080] =	vst v63  }
0x1e: {  	_ =	swait.ge @!p0 [sflag:s11], $0x1000  }
.Ltmp0:
0x1f: {  	[sflag:s11] =	ssyncset.done @!p0 $0x0;
	(pc) =	sbr.rel @p2 .LBB2_2-.Ltmp0, $4  }
0x20: {  	[sflag:s11] =	ssyncadd.s32 @!p0 $0xFFFFF000;
	s11 =	simm.s32 @!p0 $0x2  }
0x21: {  	[hbm4b:s8+s12] =	stream.linear.scatter @!p0 [tilespmem:s13], [sflag:$0x2], $0x1000, $0x38;
	[tilespmem:$0x1080] =	vst v63  }
0x22: {  	s12 =	sadd.s32 s14, s7;
	s8 =	sadd.s32 $0x4000, s8;
	_ =	swait.ge @!p0 [sflag:s11], $0x1000  }
0x23: {  	s10 =	sadd.s32 $0x200, s10;
	p1 =	sgt.u32 s12, $0x4E1;
	[sflag:s11] =	ssyncset.done @!p0 $0x0  }
0x24: {  	s9 =	simm.s32 @!p1 $0x0;
	s12 =	simm.s32 @!p1 $0x3;
	[sflag:s11] =	ssyncadd.s32 @!p0 $0xFFFFF000  }
0x25: {  	[tilespmem:s9], [sflag:$0x3] =	stream.linear.gather @!p1 [hbm4b:s10+s9], $0x80, $0x38;
	[tilespmem:$0x1080] =	vst v63  }
0x26: {  	_ =	swait.ge @!p1 [sflag:s12], $0x80  }
0x27: {  	p0 =	por p1, p1;
	[sflag:s12] =	ssyncset.done @!p1 $0x0  }
0x28: {  	s10 =	simm.s32 @!p0 $0x80;
	s11 =	simm.s32 @!p0 $0x1;
	[sflag:s12] =	ssyncadd.s32 @!p0 $0xFFFFFF80  }
0x29: {  	[tilespmem:s10], [sflag:$0x1] =	stream.indirect.gather @!p0 [hbm4b:s3+s10], $0x20, s9, s10, $0xb8;
	[tilespmem:$0x1080] =	vst v63  }
0x2a: {  	s1 =	sadd.s32 $0x1, s1;
	_ =	swait.ge @!p0 [sflag:s11], $0x1000  }
0x2b: {  	p1 =	sne.s32 s1, s4;
	[sflag:s11] =	ssyncset.done @!p0 $0x0  }
.Ltmp1:
0x2c: {  	[sflag:s11] =	ssyncadd.s32 @!p0 $0xFFFFF000;
	s11 =	simm.s32 @!p0 $0x2;
	(pc) =	sbr.rel @p1 .LBB2_1-.Ltmp1, $4  }
0x2d: {  	[hbm4b:s8+s9] =	stream.linear.scatter @!p0 [tilespmem:s10], [sflag:$0x2], $0x1000, $0x38;
	[tilespmem:$0x1080] =	vst v63  }
0x2e: {  	_ =	swait.ge @!p0 [sflag:s11], $0x1000  }
0x2f: {  	[sflag:s11] =	ssyncset.done @!p0 $0x0  }
0x30: {  	[sflag:s11] =	ssyncadd.s32 @!p0 $0xFFFFF000  }
0x31: {  	_ =	sfence.sel $0x180000  }
0x32: {  	[bflag:$0x0] =	sbarrier.arrive $0xFFFF  }
0x33: {  	p0 =	sne.s32 s2, $0x0;
	_ =	strace $0x9000004D  }
0x34: {  	s0 =	sadd.s32 @!p0 $0x100000, s0;
	[bflag:$0x2] =	sbarrier.arrive $0xFFFF  }
0x35: {  	[sflag:s0] =	ssyncadd.tile.s32 @!p0 $0x1;
	_ =	shalt  }
.Lfunc_end2:
_tile_overlayer_lowered:
.L_overlay_start_2:
0x36: {  	(tag) =	ssettag $0x2  }
0x37: {  	s0 =	rddreg [dreg:$0x0];
	s2 =	stileid.u32  }
0x38: {  	s1 =	rddreg [dreg:$0x1];
	p0 =	sne.s32 s2, $0x0  }
0x39: {  	s3 =	rddreg [dreg:$0x2];
	[bflag:$0x3] =	sbarrier.arrive $0xFFFF;
	s2 =	simm.s32 @!p0 $0x1C02  }
0x3a: {  	[timem:s3], [sflag:s2] =	dma.local @!p0 [hbm:s0], s1  }
0x3b: {  	s0 =	simm.s32 @!p0 $0x2  }
0x3c: {  	_ =	swait.ge @!p0 [sflag:s0], s1  }
0x3d: {  	s1 =	ssub.s32 @!p0 $0x0, s1;
	[sflag:s0] =	ssyncset.done @!p0 $0x0  }
0x3e: {  	[sflag:s0] =	ssyncadd.s32 @!p0 s1  }
0x3f: {  	[bflag:$0x3] =	sbarrier.arrive $0xFFFF  }
0x40: {  	_ =	shalt  }

// kernel: kernel.20.cloned.1.call-start
scs
__scs_entry_jumppad:
0x0: {  	(pc) =	sbr.rel $0x88, $3  }
0x1: {  	(tag) =	ssettag $0x0;
	lr =	simm.s32 $0x1  }
0x2: {  	[smem:$0x3F8E] =	sst lr;
	_ =	strace $0xD0000000  }
0x3: {  	_ = 	snop  }
0x4: {  	_ = 	snop  }
0x5: {  	_ = 	snop  }
0x6: {  	_ = 	snop  }
0x7: {  	_ = 	snop  }
__scs_overlays_trampoline_lowered:
0x8: {  	[smem:$0x3F9D] =	sst s0  }
0x9: {  	[smem:$0x3F9E] =	sst s1  }
0xa: {  	[smem:$0x3F9F] =	sst s2  }
0xb: {  	[smem:$0x3FA0] =	sst s3  }
0xc: {  	[smem:$0x3FA1] =	sst s4  }
0xd: {  	[smem:$0x3FA2] =	sst s5  }
0xe: {  	[smem:$0x3FA3] =	sst s6  }
0xf: {  	[smem:$0x3FA4] =	sst s7  }
0x10: {  	[smem:$0x3FA5] =	sst s8  }
0x11: {  	[smem:$0x3FA6] =	sst s9;
	s0 =	simm.s32 @!p0 $0x0  }
0x12: {  	s1 =	sld [smem:$0x3F8C];
	s0 =	simm.s32 @p0 $0x1  }
0x13: {  	[smem:$0x3FA7] =	sst s0;
	s0 =	simm.s32 @!p1 $0x0  }
0x14: {  	s2 =	sld [smem:$0x3F8B];
	s0 =	simm.s32 @p1 $0x1  }
0x15: {  	[smem:$0x3FA8] =	sst s0;
	s0 =	simm.s32 @!p2 $0x0  }
0x16: {  	s3 =	sld [smem:$0x3FDB];
	s0 =	simm.s32 @p2 $0x1  }
0x17: {  	s4 =	simm.s32 $0x1BF5;
	[smem:$0x3FAA] =	sst s0  }
0x18: {  	s0 =	sld [smem:$0x3F8D];
	_ =	swait.ge [sflag:s4], $0x0  }
0x19: {  	s7 =	sld [smem:$0x3F8E]  }
0x1a: {  	s8 =	sadd.s32 $0xFFFFE003, lr  }
0x1b: {  	s9 =	sadd.s32 $0xFFFFFEF7, lr;
	s5 =	simm.s32 $0xFFFFFFFF;
	p2 =	slt.u32 s8, $0xFFFFF086  }
0x1c: {  	p1 =	slt.u32 s9, $0xF7A;
	s5 =	simm.s32 @!p2 $0x0  }
0x1d: {  	s5 =	simm.s32 @p1 $0x1;
	p0 =	seq.s32 s7, s2  }
0x1e: {  	s7 =	smul.u32 @!p0 $0xF7A, s2;
	p2 =	seq.s32 @!p0 s5, $0x0  }
0x1f: {  	s9 =	smul.u32 $0xF7A, s1;
	s8 =	simm.s32 @!p0 $0x1BF5;
	p2 =	por !p2, p0  }
0x20: {  	[sflag:s8] =	ssyncset.s32 @!p0 $0xFFFFF086;
	s6 =	sadd.s32 @!p0 s3, s7;
	s7 =	simm.s32 @!p0 $0x108  }
0x21: {  	s3 =	sadd.s32 s3, s9;
	s6 =	sadd.s32 @!p0 $0x88, s6;
	s7 =	simm.s32 @p2 $0x1082  }
0x22: {  	[simem:s7], [sflag:s8] =	dma.local @!p0 [hbm:s6], $0xF7A  }
0x23: {  	s9 =	sor.u32 $0xD0000000, s2;
	s6 =	simm.s32 $0x108;
	_ =	swait.ge @!p0 [sflag:s8], $0x0  }
0x24: {  	s3 =	sadd.s32 $0x88, s3;
	s6 =	simm.s32 @!p1 $0x1082;
	[sflag:s4] =	ssyncset.s32 $0xFFFFF086  }
0x25: {  	[simem:s6], [sflag:s4] =	dma.local [hbm:s3], $0xF7A  }
0x26: {  	[smem:$0x3F8E] =	sst s1;
	(tag) =	ssettag s2;
	_ =	strace s9  }
0x27: {  	s1 =	sld [smem:$0x3F9E]  }
0x28: {  	s2 =	sld [smem:$0x3F9F]  }
0x29: {  	s4 =	sld [smem:$0x3FA1]  }
0x2a: {  	p0 =	seq.s32 s5, $0x0;
	s5 =	sld [smem:$0x3FA2]  }
0x2b: {  	s6 =	sld [smem:$0x3FA3]  }
0x2c: {  	s7 =	sld [smem:$0x3FA4]  }
0x2d: {  	s3 =	simm.s32 $0x108;
	s8 =	sld [smem:$0x3FA5]  }
0x2e: {  	s3 =	simm.s32 @!p0 $0x1082;
	s9 =	sld [smem:$0x3FA6]  }
0x2f: {  	lr =	sadd.s32 s0, s3;
	s0 =	sld [smem:$0x3F9D]  }
0x30: {  	s3 =	sld [smem:$0x3FA0]  }
0x31: {  	[smem:$0x3FA9] =	sst s10  }
0x32: {  	s10 =	sld [smem:$0x3FA7];
	_ =	sdelay $0x3  }
0x33: {  	p0 =	seq.s32 s10, $0x1;
	s10 =	sld [smem:$0x3FA9];
	_ =	sdelay $0x3  }
0x34: {  	[smem:$0x3FA9] =	sst s10  }
0x35: {  	s10 =	sld [smem:$0x3FA8];
	_ =	sdelay $0x3  }
0x36: {  	p1 =	seq.s32 s10, $0x1;
	s10 =	sld [smem:$0x3FA9];
	_ =	sdelay $0x3  }
0x37: {  	[smem:$0x3FA9] =	sst s10  }
0x38: {  	s10 =	sld [smem:$0x3FAA]  }
0x39: {  	_ = 	snop;
	(pc) =	sbr.ind lr, $3  }
0x3a: {  	_ = 	snop  }
0x3b: {  	_ = 	snop  }
0x3c: {  	p2 =	seq.s32 s10, $0x1;
	s10 =	sld [smem:$0x3FA9]  }
0x3d: {  	_ =	shalt  }
0x3e: {  	_ =	shalt  }
0x3f: {  	_ =	shalt  }
0x40: {  	_ =	shalt  }
0x41: {  	_ =	shalt  }
0x42: {  	_ =	shalt  }
0x43: {  	_ =	shalt  }
0x44: {  	_ =	shalt  }
0x45: {  	_ =	shalt  }
0x46: {  	_ =	shalt  }
0x47: {  	_ =	shalt  }
0x48: {  	_ =	shalt  }
0x49: {  	_ =	shalt  }
0x4a: {  	_ =	shalt  }
0x4b: {  	_ =	shalt  }
0x4c: {  	_ =	shalt  }
0x4d: {  	_ =	shalt  }
0x4e: {  	_ =	shalt  }
0x4f: {  	_ =	shalt  }
0x50: {  	_ =	shalt  }
0x51: {  	_ =	shalt  }
0x52: {  	_ =	shalt  }
0x53: {  	_ =	shalt  }
0x54: {  	_ =	shalt  }
0x55: {  	_ =	shalt  }
0x56: {  	_ =	shalt  }
0x57: {  	_ =	shalt  }
0x58: {  	_ =	shalt  }
0x59: {  	_ =	shalt  }
0x5a: {  	_ =	shalt  }
0x5b: {  	_ =	shalt  }
0x5c: {  	_ =	shalt  }
0x5d: {  	_ =	shalt  }
0x5e: {  	_ =	shalt  }
0x5f: {  	_ =	shalt  }
0x60: {  	_ =	shalt  }
0x61: {  	_ =	shalt  }
0x62: {  	_ =	shalt  }
0x63: {  	_ =	shalt  }
0x64: {  	_ =	shalt  }
0x65: {  	_ =	shalt  }
0x66: {  	_ =	shalt  }
0x67: {  	_ =	shalt  }
0x68: {  	_ =	shalt  }
0x69: {  	_ =	shalt  }
0x6a: {  	_ =	shalt  }
0x6b: {  	_ =	shalt  }
0x6c: {  	_ =	shalt  }
0x6d: {  	_ =	shalt  }
0x6e: {  	_ =	shalt  }
0x6f: {  	_ =	shalt  }
0x70: {  	_ =	shalt  }
0x71: {  	_ =	shalt  }
0x72: {  	_ =	shalt  }
0x73: {  	_ =	shalt  }
0x74: {  	_ =	shalt  }
0x75: {  	_ =	shalt  }
0x76: {  	_ =	shalt  }
0x77: {  	_ =	shalt  }
0x78: {  	_ =	shalt  }
0x79: {  	_ =	shalt  }
0x7a: {  	_ =	shalt  }
0x7b: {  	_ =	shalt  }
0x7c: {  	_ =	shalt  }
0x7d: {  	_ =	shalt  }
0x7e: {  	_ =	shalt  }
0x7f: {  	_ =	shalt  }
0x80: {  	_ =	shalt  }
0x81: {  	_ =	shalt  }
0x82: {  	_ =	shalt  }
0x83: {  	_ =	shalt  }
0x84: {  	_ =	shalt  }
0x85: {  	_ =	shalt  }
0x86: {  	_ =	shalt  }
0x87: {  	_ =	shalt  }
.Lfunc_end0:
.L_simem_size_0:
called_computation.3_lowered:
.L_overlay_start_0:
0x88: {  	s2 =	sld [smem:$0x3FD9]  }
0x89: {  	s3 =	sld [smem:$0x3FFE];
	_ =	sdelay $0x1  }
0x8a: {  	s1 =	srdreg.scid  }
0x8b: {  	s0 =	sand.u32 $0x1, s1  }
0x8c: {  	s16 =	sshll.u32 s0, $0xA;
	s2 =	sadd.s32 s3, s2  }
0x8d: {  	s2 =	sadd.s32 s2, s16  }
0x8e: {  	[smem:$0x3FB5] =	sst s2  }
0x8f: {  	_ = 	snop  }
0x90: {  	(tm) =	ssettm $0x1  }
0x91: {  	s17 =	sld [smem:$0x3FFB];
	_ =	sdelay $0x3  }
0x92: {  	_ =	strace s17  }
0x93: {  	s2 =	sld [smem:$0x3FFC];
	_ =	sdelay $0x3  }
0x94: {  	_ =	strace s2  }
0x95: {  	s2 =	sld [smem:$0x3FFD];
	_ =	sdelay $0x3  }
0x96: {  	_ =	strace s2  }
0x97: {  	_ =	strace $0x8FFFFFFF  }
0x98: {  	s18 =	sld [smem:$0x3FDB];
	_ =	sdelay $0x1  }
0x99: {  	s19 =	simm.s32 $_scs_section_size  }
0x9a: {  	s4 =	simm.s32 $_size__tile_overlayer_lowered;
	s5 =	simm.s32 $_tile_overlayer_lowered  }
0x9b: {  	s22 =	simm.s32 $0x1BFF;
	s21 =	sshll.u32 s5, $0x1;
	s2 =	sadd.s32 s19, s18  }
0x9c: {  	s6 =	simm.s32 $0x0;
	s20 =	sshll.u32 s4, $0x1;
	s4 =	sadd.s32 s21, s2  }
0x9d: {  	[timem:s6], [sflag:s22] =	dma.local [hbm:s4], s20  }
0x9e: {  	_ =	swait.ge [sflag:s22], s20  }
0x9f: {  	s3 =	ssub.s32 $0x0, s20;
	[sflag:s22] =	ssyncset.done $0x0  }
0xa0: {  	[sflag:s22] =	ssyncadd.s32 s3;
	_ =	sdelay $0x1  }
0xa1: {  	s23 =	simm.s32 $0x1B8B  }
0xa2: {  	_ =	swait.ge [sflag:s23], $0x1  }
0xa3: {  	[sflag:s23] =	ssyncset.done $0x0  }
0xa4: {  	s25 =	simm.s32 $0x1B8E;
	s24 =	sld [smem:$0x3FFE];
	[sflag:s23] =	ssyncadd.s32 $0xFFFFFFFF  }
0xa5: {  	s26 =	simm.s32 $execute0_lowered;
	[smem:$0x3FD2] =	sst s25  }
0xa6: {  	s4 =	sshll.u32 s26, $0x1;
	_ =	strace $0x8000004F;
	[dreg:$0x1] =	wrdreg $0xFFFFFFFF  }
0xa7: {  	s28 =	simm.s32 $_size_execute0_lowered;
	s2 =	sadd.s32 s2, s4;
	[dreg:$0x0] =	wrdreg $0x0  }
0xa8: {  	s4 =	sshll.u32 s28, $0x1;
	[dreg:$0x2] =	wrdreg s2  }
0xa9: {  	[dreg:$0x3] =	wrdreg s4  }
0xaa: {  	[dreg:$0x4] =	wrdreg $0xC0  }
0xab: {  	_ =	task [dreg:s6], $0x5FFFF  }
0xac: {  	[dreg:$0x1] =	wrdreg $0xFFFFFFFF  }
0xad: {  	[dreg:$0x0] =	wrdreg $0x60  }
0xae: {  	[dreg:$0x2] =	wrdreg s24  }
0xaf: {  	[dreg:$0x3] =	wrdreg $0x70800  }
0xb0: {  	[dreg:$0x4] =	wrdreg $0x9  }
0xb1: {  	_ =	task.clear_ibuf [dreg:s6], $0x5FFFF;
	_ =	strace $0x9000004F  }
0xb2: {  	s29 =	simm.s32 $0x9;
	_ =	strace $0x80000051  }
0xb3: {  	_ =	swait.ge [sflag:s29], $0x1  }
0xb4: {  	[sflag:s29] =	ssyncadd.s32 $0xFFFFFFFF  }
0xb5: {  	_ =	strace $0x90000051  }
0xb6: {  	_ =	sfence  }
0xb7: {  	s30 =	sld [smem:$0x0];
	_ =	sdelay $0x2  }
0xb8: {  	s31 =	sshll.u32 s1, $0xD;
	s1 =	sshrl.u32 s1, $0x2  }
0xb9: {  	s3 =	sand.u32 $0x4000, s31;
	s1 =	sadd.s32 s1, s30  }
0xba: {  	s0 =	sor.u32 s3, s0;
	s1 =	sshll.u32 s1, $0x11  }
0xbb: {  	s0 =	sor.u32 s1, s0  }
0xbc: {  	s0 =	sadd.s32 $0x8F2B, s0  }
0xbd: {  	[sflag:s0] =	ssyncadd.remote.s32 $0x1  }
0xbe: {  	_ =	sfence.sel $0xFFFF  }
0xbf: {  	[dreg:$0x0] =	wrdreg $0xFFFFFFFF;
	(pc) =	sbr.abs _section_cstart, $3  }
0xc0: {  	[dreg:$0x1] =	wrdreg $0xFFFFFFFF  }
0xc1: {  	_ =	task.clear_ibuf [dreg:s6], $0x2FFFF;
	_ =	strace $0x9FFFFFFF  }
0xc2: {  	(tm) =	ssettm $0x7FFFFFFF  }
0xc3: {  	_ =	shalt  }
tec
execute0_lowered:
.L_overlay_start_1:
0x0: {  	(tag) =	ssettag $0x1  }
0x1: {  	s4 =	rddreg [dreg:$0x0]  }
0x2: {  	s2 =	rddreg [dreg:$0x1]  }
0x3: {  	s0 =	rddreg [dreg:$0x2];
	s5 =	srdreg.scid  }
0x4: {  	s1 =	stileid.u32;
	s3 =	simm.s32 $0x0;
	s16 =	simm.s32 $0x1  }
0x5: {  	s17 =	simm.s32 $0x2080;
	s18 =	simm.s32 $0x0;
	s6 =	smul.u32 $0x5000, s1  }
0x6: {  	s5 =	sand.u32 $0x1, s5;
	[smem:$0x7FF] =	sst s3;
	s9 =	smul.u32 $0x14000, s1  }
0x7: {  	s12 =	sshll.u32 s1, $0x4;
	s15 =	sshll.u32 s1, $0x9;
	s7 =	sshll.u32 s5, $0xD  }
0x8: {  	s8 =	smul.u32 $0x50000, s5;
	_ =	strace $0x80000050;
	s28 =	sshll.u32 s5, $0x8  }
0x9: {  	s30 =	ssub.s32 $0x2, s5;
	s14 =	sshll.u32 s5, $0x4;
	s13 =	sadd.s32 s7, s4  }
0xa: {  	s11 =	sadd.s32 s28, s4;
	s31 =	sshrl.u32 s30, $0x1;
	s9 =	sshrl.u32 s9, $0x2  }
0xb: {  	s5 =	sadd.s32 s6, s2;
	s14 =	sor.u32 s14, s1;
	s8 =	sadd.s32 s6, s8  }
0xc: {  	s12 =	sadd.s32 s12, s11;
	s13 =	sadd.s32 s15, s13;
	s15 =	simm.s32 $0x1080  }
0xd: {  	s29 =	sshrl.u32 s8, $0x3;
	s8 =	ssub.s32 s30, s31;
	s12 =	sadd.s32 $0xB400, s12  }
0xe: {  	s13 =	sadd.s32 $0x37600, s13;
	s7 =	sadd.s32 s29, s4;
	s4 =	sadd.s32 s9, s2  }
0xf: {  	s6 =	sadd.s32 $0xD3C00, s7;
	s7 =	smax.u32 s8, $0x1;
	s8 =	sadd.s32 $0x1000, s4  }
0x10: {  	v0 =	vimm.f32 $0.0e+00;
	s9 =	sadd.s32 $0x2000, s4;
	s10 =	sadd.s32 $0x3000, s4;
	s11 =	sadd.s32 $0x4000, s4  }
.LBB2_1:
0x11: {  	s19 =	simm.s32 $0x80;
	s20 =	simm.s32 $0x0  }
.LBB2_2:
0x12: {  	p0 =	sne.s32 s19, $0x3F80;
	[tilespmem:s20+$0x1080] =	vst v0;
	s21 =	smov.u32 s19;
	s19 =	sadd.s32 $0x80, s19  }
.Ltmp0:
0x13: {  	[tilespmem:s20+$0x1090] =	vst v0;
	(pc) =	sbr.rel @p0 .LBB2_2-.Ltmp0, $2  }
0x14: {  	_ =	sdelay $0x2  }
0x15: {  	s20 =	sshra.s32 s21, $0x2  }
0x16: {  	[tilespmem:s20+$0x1080] =	vst v0  }
0x17: {  	[tilespmem:s20+$0x1090] =	vst v0  }
0x18: {  	[spmem:s4] =	stream.linear.scatter [tilespmem:s15], [sflag:$0x1], $0x1000, $0x38;
	[tilespmem:$0xC080] =	vst v63  }
0x19: {  	_ =	swait.ge [sflag:s16], $0x1000  }
0x1a: {  	[sflag:s16] =	ssyncset.done $0x0  }
0x1b: {  	[sflag:s16] =	ssyncadd.s32 $0xFFFFF000  }
0x1c: {  	[spmem:s8] =	stream.linear.scatter [tilespmem:s15], [sflag:$0x1], $0x1000, $0x38;
	[tilespmem:$0xC080] =	vst v63  }
0x1d: {  	_ =	swait.ge [sflag:s16], $0x1000  }
0x1e: {  	[sflag:s16] =	ssyncset.done $0x0  }
0x1f: {  	[sflag:s16] =	ssyncadd.s32 $0xFFFFF000  }
0x20: {  	[spmem:s9] =	stream.linear.scatter [tilespmem:s15], [sflag:$0x1], $0x1000, $0x38;
	[tilespmem:$0xC080] =	vst v63  }
0x21: {  	_ =	swait.ge [sflag:s16], $0x1000  }
0x22: {  	[sflag:s16] =	ssyncset.done $0x0  }
0x23: {  	[sflag:s16] =	ssyncadd.s32 $0xFFFFF000  }
0x24: {  	[spmem:s10] =	stream.linear.scatter [tilespmem:s15], [sflag:$0x1], $0x1000, $0x38;
	[tilespmem:$0xC080] =	vst v63  }
0x25: {  	_ =	swait.ge [sflag:s16], $0x1000  }
0x26: {  	[sflag:s16] =	ssyncset.done $0x0  }
0x27: {  	[sflag:s16] =	ssyncadd.s32 $0xFFFFF000  }
0x28: {  	[spmem:s11] =	stream.linear.scatter [tilespmem:s15], [sflag:$0x1], $0x1000, $0x38;
	[tilespmem:$0xC080] =	vst v63  }
0x29: {  	_ =	swait.ge [sflag:s16], $0x1000  }
0x2a: {  	s19 =	sadd.s32 $0x0, s14;
	[sflag:s16] =	ssyncset.done $0x0  }
0x2b: {  	p0 =	sgt.u32 s19, $0x4E1;
	[sflag:s16] =	ssyncadd.s32 $0xFFFFF000  }
0x2c: {  	s19 =	simm.s32 @!p0 $0x0;
	s21 =	simm.s32 @!p0 $0x2;
	[bflag:$0x0] =	sbarrier.arrive $0xFFFF  }
0x2d: {  	[tilespmem:s19], [sflag:$0x2] =	stream.linear.gather @!p0 [hbm4b:s12+s19], $0x80, $0x38;
	[tilespmem:$0xC080] =	vst v63  }
0x2e: {  	_ =	swait.ge @!p0 [sflag:s21], $0x80  }
0x2f: {  	[sflag:s21] =	ssyncset.done @!p0 $0x0;
	p0 =	por p0, p0  }
0x30: {  	[sflag:s21] =	ssyncadd.s32 @!p0 $0xFFFFFF80;
	s23 =	simm.s32 @!p0 $0x80  }
0x31: {  	[tilespmem:s23], [sflag:$0x2] =	stream.linear.gather @!p0 [hbm4b:s13+s19], $0x1000, $0x38;
	[tilespmem:$0xC080] =	vst v63  }
0x32: {  	_ =	swait.ge @!p0 [sflag:s21], $0x1000  }
0x33: {  	[sflag:s21] =	ssyncset.done @!p0 $0x0  }
0x34: {  	s31 =	sadd.s32 $0x20, s14;
	s22 =	simm.s32 @!p0 $0x1;
	[sflag:s21] =	ssyncadd.s32 @!p0 $0xFFFFF000  }
0x35: {  	[spmem:s2] =	stream.indirect.scatter.add.f32 @!p0 [tilespmem:s23], [sflag:$0x1], $0x20, s19, s23, $0xb8;
	[tilespmem:$0xC080] =	vst v63  }
0x36: {  	s20 =	simm.s32 $0x40;
	p1 =	sgt.u32 s31, $0x4E1;
	_ =	swait.ge @!p0 [sflag:s22], $0x1000  }
0x37: {  	s21 =	sadd.s32 $0x200, s12;
	s19 =	sadd.s32 $0x4000, s13;
	[sflag:s22] =	ssyncset.done @!p0 $0x0  }
.LBB2_4:
0x38: {  	s23 =	simm.s32 @!p1 $0x0;
	s24 =	simm.s32 @!p1 $0x2;
	[sflag:s22] =	ssyncadd.s32 @!p0 $0xFFFFF000  }
0x39: {  	[tilespmem:s23], [sflag:$0x2] =	stream.linear.gather @!p1 [hbm4b:s21+s23], $0x80, $0x38;
	[tilespmem:$0xC080] =	vst v63  }
0x3a: {  	s25 =	smov.u32 s20;
	s20 =	sadd.s32 $0x20, s20;
	_ =	swait.ge @!p1 [sflag:s24], $0x80  }
0x3b: {  	p0 =	por p1, p1;
	p2 =	sne.s32 s20, $0x500;
	[sflag:s24] =	ssyncset.done @!p1 $0x0  }
0x3c: {  	s26 =	simm.s32 @!p0 $0x80;
	[sflag:s24] =	ssyncadd.s32 @!p0 $0xFFFFFF80  }
0x3d: {  	[tilespmem:s26], [sflag:$0x2] =	stream.linear.gather @!p0 [hbm4b:s19+s23], $0x1000, $0x38;
	[tilespmem:$0xC080] =	vst v63  }
0x3e: {  	_ =	swait.ge @!p0 [sflag:s24], $0x1000  }
.Ltmp1:
0x3f: {  	[sflag:s24] =	ssyncset.done @!p0 $0x0;
	(pc) =	sbr.rel @p2 .LBB2_4-.Ltmp1, $4  }
0x40: {  	s22 =	simm.s32 @!p0 $0x1;
	[sflag:s24] =	ssyncadd.s32 @!p0 $0xFFFFF000  }
0x41: {  	[spmem:s2] =	stream.indirect.scatter.add.f32 @!p0 [tilespmem:s26], [sflag:$0x1], $0x20, s23, s26, $0xb8;
	[tilespmem:$0xC080] =	vst v63  }
0x42: {  	s19 =	sadd.s32 $0x4000, s19;
	s23 =	sadd.s32 s25, s14;
	_ =	swait.ge @!p0 [sflag:s22], $0x1000  }
0x43: {  	s21 =	sadd.s32 $0x200, s21;
	p1 =	sgt.u32 s23, $0x4E1;
	[sflag:s22] =	ssyncset.done @!p0 $0x0  }
0x44: {  	s20 =	simm.s32 @!p1 $0x0;
	s23 =	simm.s32 @!p1 $0x2;
	[sflag:s22] =	ssyncadd.s32 @!p0 $0xFFFFF000  }
0x45: {  	[tilespmem:s20], [sflag:$0x2] =	stream.linear.gather @!p1 [hbm4b:s21+s20], $0x80, $0x38;
	[tilespmem:$0xC080] =	vst v63  }
0x46: {  	_ =	swait.ge @!p1 [sflag:s23], $0x80  }
0x47: {  	p0 =	por p1, p1;
	[sflag:s23] =	ssyncset.done @!p1 $0x0  }
0x48: {  	s21 =	simm.s32 @!p0 $0x80;
	[sflag:s23] =	ssyncadd.s32 @!p0 $0xFFFFFF80  }
0x49: {  	[tilespmem:s21], [sflag:$0x2] =	stream.linear.gather @!p0 [hbm4b:s19+s20], $0x1000, $0x38;
	[tilespmem:$0xC080] =	vst v63  }
0x4a: {  	_ =	swait.ge @!p0 [sflag:s23], $0x1000  }
0x4b: {  	[sflag:s23] =	ssyncset.done @!p0 $0x0  }
0x4c: {  	s19 =	simm.s32 @!p0 $0x1;
	[sflag:s23] =	ssyncadd.s32 @!p0 $0xFFFFF000  }
0x4d: {  	[spmem:s2] =	stream.indirect.scatter.add.f32 @!p0 [tilespmem:s21], [sflag:$0x1], $0x20, s20, s21, $0xb8;
	[tilespmem:$0xC080] =	vst v63  }
0x4e: {  	_ =	swait.ge @!p0 [sflag:s19], $0x1000  }
0x4f: {  	[sflag:s19] =	ssyncset.done @!p0 $0x0  }
0x50: {  	[sflag:s19] =	ssyncadd.s32 @!p0 $0xFFFFF000  }
0x51: {  	[bflag:$0x0] =	sbarrier.arrive $0xFFFF  }
0x52: {  	[tilespmem:s17], [sflag:$0x1] =	stream.linear.gather [spmem:s5], $0x5000, $0x38;
	[tilespmem:$0xC080] =	vst v63  }
0x53: {  	s18 =	sadd.s32 $0x1, s18;
	_ =	swait.ge [sflag:s16], $0x5000  }
0x54: {  	p0 =	sne.s32 s18, s7;
	[sflag:s16] =	ssyncset.done $0x0  }
.Ltmp2:
0x55: {  	[sflag:s16] =	ssyncadd.s32 $0xFFFFB000;
	(pc) =	sbr.rel @p0 .LBB2_1-.Ltmp2, $4  }
0x56: {  	[hbm4b:s6+s3] =	stream.linear.scatter [tilespmem:s17], [sflag:$0x1], $0x5000, $0x38;
	[tilespmem:$0xC080] =	vst v63  }
0x57: {  	_ =	swait.ge [sflag:s16], $0x5000  }
0x58: {  	[sflag:s16] =	ssyncset.done $0x0  }
0x59: {  	[sflag:s16] =	ssyncadd.s32 $0xFFFFB000  }
0x5a: {  	_ =	sfence.sel $0x180000  }
0x5b: {  	[bflag:$0x0] =	sbarrier.arrive $0xFFFF  }
0x5c: {  	p0 =	sne.s32 s1, $0x0;
	_ =	strace $0x90000050  }
0x5d: {  	s0 =	sadd.s32 @!p0 $0x100000, s0;
	[bflag:$0x2] =	sbarrier.arrive $0xFFFF  }
0x5e: {  	[sflag:s0] =	ssyncadd.tile.s32 @!p0 $0x1;
	_ =	shalt  }
.Lfunc_end2:
_tile_overlayer_lowered:
.L_overlay_start_2:
0x5f: {  	(tag) =	ssettag $0x2  }
0x60: {  	s0 =	rddreg [dreg:$0x0];
	s2 =	stileid.u32  }
0x61: {  	s1 =	rddreg [dreg:$0x1];
	p0 =	sne.s32 s2, $0x0  }
0x62: {  	s3 =	rddreg [dreg:$0x2];
	[bflag:$0x3] =	sbarrier.arrive $0xFFFF;
	s2 =	simm.s32 @!p0 $0x1C01  }
0x63: {  	[timem:s3], [sflag:s2] =	dma.local @!p0 [hbm:s0], s1  }
0x64: {  	s0 =	simm.s32 @!p0 $0x1  }
0x65: {  	_ =	swait.ge @!p0 [sflag:s0], s1  }
0x66: {  	s1 =	ssub.s32 @!p0 $0x0, s1;
	[sflag:s0] =	ssyncset.done @!p0 $0x0  }
0x67: {  	[sflag:s0] =	ssyncadd.s32 @!p0 s1  }
0x68: {  	[bflag:$0x3] =	sbarrier.arrive $0xFFFF  }
0x69: {  	_ =	shalt  }

</sc_bundles>
